<compile_context>
chip_gen: v7x
topology: tpu7x:2x2x1
jax: 0.10.2.dev20260603
libtpu: 0.0.44.dev20260713+nightly
codegen_flags: <defaults>
</compile_context>

<pallas_src>
import functools

import jax
import jax.numpy as jnp
from jax import lax
from jax.experimental import pallas as pl
from jax.experimental.pallas import tpu as pltpu
from jax.experimental.pallas import tpu_sc as plsc

B = 128
NPG = 512
EPG = 8192
N = B * NPG
E = B * EPG

NC = 2
NS = 16
NW = NC * NS
EPT = E // NW
GPT = EPT // EPG
CHUNK = EPG
NJOBS = 2 * GPT
L = 16


def _sc_body(edge_hbm, node_ids_hbm,
             heads_hbm, tails_hbm,
             table_v, idx_v, out_v,
             tab_sem, in_sems, out_sems):
    wid = lax.axis_index("s") * NC + lax.axis_index("c")
    base = wid * EPT

    tab_cp = pltpu.async_copy(node_ids_hbm, table_v, tab_sem)

    def job_src(j):
        row, c = divmod(j, GPT)
        return edge_hbm.at[row, pl.ds(base + c * CHUNK, CHUNK)]

    in_cps = [None] * NJOBS
    out_cps = [None] * NJOBS
    for j in range(2):
        in_cps[j] = pltpu.async_copy(job_src(j), idx_v.at[j], in_sems.at[j])

    tab_cp.wait()
    for j in range(NJOBS):
        slot = j % 2
        row, c = divmod(j, GPT)
        in_cps[j].wait()
        if j >= 2:
            out_cps[j - 2].wait()

        @plsc.parallel_loop(0, CHUNK, step=L, unroll=8)
        def _gather(i):
            sl = pl.ds(i, L)
            out_v[slot, sl] = plsc.load_gather(table_v, [idx_v[slot, sl]])

        if j + 2 < NJOBS:
            in_cps[j + 2] = pltpu.async_copy(job_src(j + 2), idx_v.at[slot],
                                             in_sems.at[slot])
        out_cps[j] = pltpu.async_copy(
            out_v.at[slot], (heads_hbm if row == 0 else tails_hbm).at[
                pl.ds(base + c * CHUNK, CHUNK)], out_sems.at[slot])
    out_cps[NJOBS - 2].wait()
    out_cps[NJOBS - 1].wait()


@functools.partial(jax.jit, static_argnames=())
def _sc_call(edge_index, node_ids):
    mesh = plsc.VectorSubcoreMesh(core_axis_name="c", subcore_axis_name="s",
                                  num_cores=NC, num_subcores=NS)
    return pl.kernel(
        _sc_body,
        out_type=(
            jax.ShapeDtypeStruct((E,), jnp.int32),
            jax.ShapeDtypeStruct((E,), jnp.int32),
        ),
        mesh=mesh,
        compiler_params=pltpu.CompilerParams(needs_layout_passes=False),
        scratch_types=[
            pltpu.VMEM((N,), jnp.int32),
            pltpu.VMEM((2, CHUNK), jnp.int32),
            pltpu.VMEM((2, CHUNK), jnp.int32),
            pltpu.SemaphoreType.DMA,
            pltpu.SemaphoreType.DMA((2,)),
            pltpu.SemaphoreType.DMA((2,)),
        ],
    )(edge_index, node_ids)


def _tc_body(heads2d_ref, scores_ref, starts_ref, answers_ref, counts_ref,
             z_ref, esm_ref, nis_ref, nia_ref, ahits_ref, done_ref,
             selmask_ref, selorder_ref, stepcnt_ref):
    i = pl.program_id(0)
    s = starts_ref[...]
    a = answers_ref[...]
    x = scores_ref[...]
    mean = jnp.mean(x, axis=1, keepdims=True)
    var = jnp.maximum(jnp.mean(x * x, axis=1, keepdims=True) - mean * mean,
                      0.0)
    z_ref[...] = (x - mean) / (jnp.sqrt(var) + 1e-6)
    esm_ref[...] = heads2d_ref[...] == s
    col = lax.broadcasted_iota(jnp.int32, (8, NPG), 1)
    grow = lax.broadcasted_iota(jnp.int32, (8, NPG), 0) + 8 * i
    gid = grow * NPG + col
    nis_ref[...] = gid == s
    nia_ref[...] = gid == a
    ahits_ref[...] = s == a
    done_ref[...] = counts_ref[...] == 0
    selmask_ref[...] = jnp.zeros((8, EPG), jnp.bool_)
    selorder_ref[...] = jnp.full((8, EPG), -1, jnp.int32)
    stepcnt_ref[...] = jnp.zeros((8, 1), jnp.int32)


def _tc_call(edge2d, scores2d, starts, answers, counts):
    grid = (B // 8,)
    return pl.pallas_call(
        _tc_body,
        grid=grid,
        in_specs=[
            pl.BlockSpec((8, EPG), lambda i: (i, 0)),
            pl.BlockSpec((8, EPG), lambda i: (i, 0)),
            pl.BlockSpec((8, 1), lambda i: (i, 0)),
            pl.BlockSpec((8, 1), lambda i: (i, 0)),
            pl.BlockSpec((8, 1), lambda i: (i, 0)),
        ],
        out_specs=[
            pl.BlockSpec((8, EPG), lambda i: (i, 0)),
            pl.BlockSpec((8, EPG), lambda i: (i, 0)),
            pl.BlockSpec((8, NPG), lambda i: (i, 0)),
            pl.BlockSpec((8, NPG), lambda i: (i, 0)),
            pl.BlockSpec((8, 1), lambda i: (i, 0)),
            pl.BlockSpec((8, 1), lambda i: (i, 0)),
            pl.BlockSpec((8, EPG), lambda i: (i, 0)),
            pl.BlockSpec((8, EPG), lambda i: (i, 0)),
            pl.BlockSpec((8, 1), lambda i: (i, 0)),
        ],
        out_shape=[
            jax.ShapeDtypeStruct((B, EPG), jnp.float32),
            jax.ShapeDtypeStruct((B, EPG), jnp.bool_),
            jax.ShapeDtypeStruct((B, NPG), jnp.bool_),
            jax.ShapeDtypeStruct((B, NPG), jnp.bool_),
            jax.ShapeDtypeStruct((B, 1), jnp.bool_),
            jax.ShapeDtypeStruct((B, 1), jnp.bool_),
            jax.ShapeDtypeStruct((B, EPG), jnp.bool_),
            jax.ShapeDtypeStruct((B, EPG), jnp.int32),
            jax.ShapeDtypeStruct((B, 1), jnp.int32),
        ],
    )(edge2d, scores2d, starts, answers, counts)


def kernel(edge_index, edge_batch, node_global_ids, node_ptr, edge_ptr,
           edge_scores, start_node_locals, start_ptr,
           answer_node_locals, answer_ptr):
    scores = edge_scores.reshape(-1).astype(jnp.float32)
    starts = start_node_locals.astype(jnp.int32)
    heads, tails = _sc_call(edge_index, node_global_ids.astype(jnp.int32))

    edge2d = edge_index.reshape(2 * B, EPG)
    answers = answer_node_locals.astype(jnp.int32).reshape(B, 1)
    counts = (start_ptr[1:] - start_ptr[:-1]).astype(jnp.int32).reshape(B, 1)
    z2d, esm2d, nis, nia, ahits, done, selmask, selorder, stepcnt = _tc_call(
        edge2d, scores.reshape(B, EPG), starts.reshape(B, 1), answers, counts)

    return (z2d.reshape(E), heads, tails, nis.reshape(N), nia.reshape(N),
            esm2d.reshape(E), ahits.reshape(B), done.reshape(B),
            selmask.reshape(E), selorder.reshape(E), stepcnt.reshape(B))

# --- scband reference (transcript-rebuilt; emitter-appended) ---
"""Pipeline reference for scband-graph-env-14482629722499 (READ-ONLY COPY).

The authoritative reference and input builder live on the scoring server;
editing this copy changes nothing except your own understanding.
"""

import jax, jax.numpy as jnp
import numpy as np

B = 128      # num graphs
NPG = 512    # nodes per graph
EPG = 8192   # edges per graph
N = B * NPG
E = B * EPG


def setup_inputs(seed: int = 0) -> dict:
    key = jax.random.key(seed)
    k1, k2, k3, k4, k5 = jax.random.split(key, 5)
    edge_batch = jnp.repeat(jnp.arange(B), EPG)
    edge_local = jax.random.randint(k1, (2, E), 0, NPG)
    edge_index = edge_local + edge_batch[None, :] * NPG
    node_global_ids = jax.random.randint(k2, (N,), 0, 10000000)
    edge_scores = jax.random.normal(k3, (E,), dtype=jnp.float32)
    start_node_locals = jax.random.randint(k4, (B,), 0, NPG) + jnp.arange(B) * NPG
    start_ptr = jnp.arange(B + 1)
    answer_node_locals = jax.random.randint(k5, (B,), 0, NPG) + jnp.arange(B) * NPG
    answer_ptr = jnp.arange(B + 1)
    node_ptr = jnp.arange(B + 1) * NPG
    edge_ptr = jnp.arange(B + 1) * EPG
    return {
        'edge_index': edge_index,
        'edge_batch': edge_batch,
        'node_global_ids': node_global_ids,
        'node_ptr': node_ptr,
        'edge_ptr': edge_ptr,
        'edge_scores': edge_scores,
        'start_node_locals': start_node_locals,
        'start_ptr': start_ptr,
        'answer_node_locals': answer_node_locals,
        'answer_ptr': answer_ptr,
    }


def reference(edge_index, edge_batch, node_global_ids, node_ptr, edge_ptr,
              edge_scores, start_node_locals, start_ptr,
              answer_node_locals, answer_ptr):
    num_graphs = node_ptr.shape[0] - 1
    n_nodes = node_global_ids.shape[0]
    edge_scores = edge_scores.reshape(-1).astype(jnp.float32)

    # heads/tails gather (GraphEnv.reset)
    heads_global = node_global_ids[edge_index[0]]
    tails_global = node_global_ids[edge_index[1]]

    # per-graph z-score of edge scores (_zscore_edges)
    ones = jnp.ones_like(edge_scores)
    counts = jax.ops.segment_sum(ones, edge_batch, num_segments=num_graphs)
    sums = jax.ops.segment_sum(edge_scores, edge_batch, num_segments=num_graphs)
    sqs = jax.ops.segment_sum(edge_scores * edge_scores, edge_batch, num_segments=num_graphs)
    cnt = jnp.maximum(counts, 1.0)
    mean = sums / cnt
    var = jnp.maximum(sqs / cnt - mean * mean, 0.0)
    std = jnp.sqrt(var)
    edge_scores_z = (edge_scores - mean[edge_batch]) / (std[edge_batch] + 1e-6)

    # start / answer node masks (scatter-overwrite)
    node_is_start = jnp.zeros((n_nodes,), dtype=bool).at[start_node_locals].set(True)
    node_is_answer = jnp.zeros((n_nodes,), dtype=bool).at[answer_node_locals].set(True)

    # answer_hits: bincount of start nodes that are answers
    start_counts = start_ptr[1:] - start_ptr[:-1]
    start_batch = jnp.repeat(jnp.arange(num_graphs), jnp.maximum(start_counts, 0),
                             total_repeat_length=start_node_locals.shape[0])
    start_is_answer = node_is_answer[start_node_locals].astype(jnp.float32)
    answer_hits = jax.ops.segment_sum(start_is_answer, start_batch, num_segments=num_graphs) > 0

    # directed=True: edge starts mask
    edge_starts_mask = node_is_start[edge_index[0]]

    # done for graphs with no start node
    done = start_counts == 0

    num_edges = edge_index.shape[1]
    selected_mask = jnp.zeros((num_edges,), dtype=bool)
    selection_order = jnp.full((num_edges,), -1, dtype=jnp.int32)
    step_counts = jnp.zeros((num_graphs,), dtype=jnp.int32)

    return (edge_scores_z, heads_global, tails_global, node_is_start,
            node_is_answer, edge_starts_mask, answer_hits, done,
            selected_mask, selection_order, step_counts)

if __name__ == "__main__":
    import jax
    _d = setup_inputs()
    print(jax.jit(kernel)(*tuple(_d.values())))

</pallas_src>

<mosaic_0001>
#map = affine_map<(d0, d1) -> (0, 0)>
#map1 = affine_map<(d0, d1) -> (0)>
module attributes {stable_mosaic.version = 14 : i64} {
  func.func @_sc_body(%arg0: i32, %arg1: i32, %arg2: memref<2x1048576xi32, #tpu.memory_space<hbm>>, %arg3: memref<65536xi32, #tpu.memory_space<hbm>>, %arg4: memref<1048576xi32, #tpu.memory_space<hbm>>, %arg5: memref<1048576xi32, #tpu.memory_space<hbm>>, %arg6: memref<65536xi32, #tpu.memory_space<vmem>>, %arg7: memref<2x8192xi32, #tpu.memory_space<vmem>>, %arg8: memref<2x8192xi32, #tpu.memory_space<vmem>>, %arg9: memref<!tpu.dma_semaphore, #tpu.memory_space<semaphore_mem>>, %arg10: memref<2x!tpu.dma_semaphore, #tpu.memory_space<semaphore_mem>>, %arg11: memref<2x!tpu.dma_semaphore, #tpu.memory_space<semaphore_mem>>) attributes {dimension_semantics = [#tpu.dimension_semantics<core_parallel>, #tpu.dimension_semantics<subcore_parallel>], iteration_bounds = array<i64: 2, 16>, scalar_prefetch = 0 : i64, scratch_operands = 6 : i64, tpu.core_type = #tpu.core_type<sc_vector_subcore>, window_params = [{transform_indices = #map}, {transform_indices = #map1}, {transform_indices = #map1}, {transform_indices = #map1}]} {
    %mul3A = arith.constant 2 : i32
    %mul3A_0 = arith.muli %arg1, %mul3A : i32
    %add3A = arith.addi %mul3A_0, %arg0 : i32
    %mul3A_1 = arith.constant 32768 : i32
    %mul3A_2 = arith.muli %add3A, %mul3A_1 : i32
    tpu.enqueue_dma source(%arg3 : memref<65536xi32, #tpu.memory_space<hbm>>) target(%arg6 : memref<65536xi32, #tpu.memory_space<vmem>>) target_semaphore(%arg9 : memref<!tpu.dma_semaphore, #tpu.memory_space<semaphore_mem>>)
    %add3A_3 = arith.constant 0 : i32
    %add3A_4 = arith.addi %mul3A_2, %add3A_3 : i32
    %dma_start3A = arith.constant 0 : i32
    %dma_start3A_5 = arith.constant 0 : i32
    %dma_start3A_6 = arith.constant 0 : i32
    %dma_start3A_7 = arith.constant 0 : i32
    %dma_start3A_8 = tpu.memref_slice %arg7[%dma_start3A_5, %dma_start3A_7] : memref<2x8192xi32, #tpu.memory_space<vmem>> -> memref<1x8192xi32, #tpu.memory_space<vmem>>
    %dma_start3A_9 = tpu.memref_squeeze %dma_start3A_8 : memref<1x8192xi32, #tpu.memory_space<vmem>> -> memref<8192xi32, #tpu.memory_space<vmem>>
    %dma_start3A_10 = tpu.memref_slice %arg2[%dma_start3A, %add3A_4] : memref<2x1048576xi32, #tpu.memory_space<hbm>> -> memref<1x8192xi32, #tpu.memory_space<hbm>>
    %dma_start3A_11 = tpu.memref_squeeze %dma_start3A_10 : memref<1x8192xi32, #tpu.memory_space<hbm>> -> memref<8192xi32, #tpu.memory_space<hbm>>
    %dma_start3A_12 = tpu.memref_slice %arg10[%dma_start3A_6] : memref<2x!tpu.dma_semaphore, #tpu.memory_space<semaphore_mem>> -> memref<1x!tpu.dma_semaphore, #tpu.memory_space<semaphore_mem>>
    %dma_start3A_13 = tpu.memref_squeeze %dma_start3A_12 : memref<1x!tpu.dma_semaphore, #tpu.memory_space<semaphore_mem>> -> memref<!tpu.dma_semaphore, #tpu.memory_space<semaphore_mem>>
    %dma_start3A_14 = arith.constant 0 : i32
    %dma_start3A_15 = tpu.memref_slice %arg7[%dma_start3A_5, %dma_start3A_14] : memref<2x8192xi32, #tpu.memory_space<vmem>> -> memref<1x8192xi32, #tpu.memory_space<vmem>>
    %dma_start3A_16 = tpu.memref_squeeze %dma_start3A_15 : memref<1x8192xi32, #tpu.memory_space<vmem>> -> memref<8192xi32, #tpu.memory_space<vmem>>
    %dma_start3A_17 = tpu.memref_slice %arg2[%dma_start3A, %add3A_4] : memref<2x1048576xi32, #tpu.memory_space<hbm>> -> memref<1x8192xi32, #tpu.memory_space<hbm>>
    %dma_start3A_18 = tpu.memref_squeeze %dma_start3A_17 : memref<1x8192xi32, #tpu.memory_space<hbm>> -> memref<8192xi32, #tpu.memory_space<hbm>>
    tpu.enqueue_dma source(%dma_start3A_18 : memref<8192xi32, #tpu.memory_space<hbm>>) target(%dma_start3A_16 : memref<8192xi32, #tpu.memory_space<vmem>>) target_semaphore(%dma_start3A_13 : memref<!tpu.dma_semaphore, #tpu.memory_space<semaphore_mem>>)
    %add3A_19 = arith.constant 8192 : i32
    %add3A_20 = arith.addi %mul3A_2, %add3A_19 : i32
    %dma_start3A_21 = arith.constant 0 : i32
    %dma_start3A_22 = arith.constant 1 : i32
    %dma_start3A_23 = arith.constant 1 : i32
    %dma_start3A_24 = arith.constant 0 : i32
    %dma_start3A_25 = tpu.memref_slice %arg7[%dma_start3A_22, %dma_start3A_24] : memref<2x8192xi32, #tpu.memory_space<vmem>> -> memref<1x8192xi32, #tpu.memory_space<vmem>>
    %dma_start3A_26 = tpu.memref_squeeze %dma_start3A_25 : memref<1x8192xi32, #tpu.memory_space<vmem>> -> memref<8192xi32, #tpu.memory_space<vmem>>
    %dma_start3A_27 = tpu.memref_slice %arg2[%dma_start3A_21, %add3A_20] : memref<2x1048576xi32, #tpu.memory_space<hbm>> -> memref<1x8192xi32, #tpu.memory_space<hbm>>
    %dma_start3A_28 = tpu.memref_squeeze %dma_start3A_27 : memref<1x8192xi32, #tpu.memory_space<hbm>> -> memref<8192xi32, #tpu.memory_space<hbm>>
    %dma_start3A_29 = tpu.memref_slice %arg10[%dma_start3A_23] : memref<2x!tpu.dma_semaphore, #tpu.memory_space<semaphore_mem>> -> memref<1x!tpu.dma_semaphore, #tpu.memory_space<semaphore_mem>>
    %dma_start3A_30 = tpu.memref_squeeze %dma_start3A_29 : memref<1x!tpu.dma_semaphore, #tpu.memory_space<semaphore_mem>> -> memref<!tpu.dma_semaphore, #tpu.memory_space<semaphore_mem>>
    %dma_start3A_31 = arith.constant 0 : i32
    %dma_start3A_32 = tpu.memref_slice %arg7[%dma_start3A_22, %dma_start3A_31] : memref<2x8192xi32, #tpu.memory_space<vmem>> -> memref<1x8192xi32, #tpu.memory_space<vmem>>
    %dma_start3A_33 = tpu.memref_squeeze %dma_start3A_32 : memref<1x8192xi32, #tpu.memory_space<vmem>> -> memref<8192xi32, #tpu.memory_space<vmem>>
    %dma_start3A_34 = tpu.memref_slice %arg2[%dma_start3A_21, %add3A_20] : memref<2x1048576xi32, #tpu.memory_space<hbm>> -> memref<1x8192xi32, #tpu.memory_space<hbm>>
    %dma_start3A_35 = tpu.memref_squeeze %dma_start3A_34 : memref<1x8192xi32, #tpu.memory_space<hbm>> -> memref<8192xi32, #tpu.memory_space<hbm>>
    tpu.enqueue_dma source(%dma_start3A_35 : memref<8192xi32, #tpu.memory_space<hbm>>) target(%dma_start3A_33 : memref<8192xi32, #tpu.memory_space<vmem>>) target_semaphore(%dma_start3A_30 : memref<!tpu.dma_semaphore, #tpu.memory_space<semaphore_mem>>)
    tpu.wait_dma2 semaphore(%arg9 : memref<!tpu.dma_semaphore, #tpu.memory_space<semaphore_mem>>) src(%arg3 : memref<65536xi32, #tpu.memory_space<hbm>>) dst(%arg6 : memref<65536xi32, #tpu.memory_space<vmem>>)
    %dma_wait3A = arith.constant 0 : i32
    %dma_wait3A_36 = arith.constant 0 : i32
    %dma_wait3A_37 = arith.constant 0 : i32
    %dma_wait3A_38 = arith.constant 0 : i32
    %dma_wait3A_39 = tpu.memref_slice %arg7[%dma_wait3A_36, %dma_wait3A_38] : memref<2x8192xi32, #tpu.memory_space<vmem>> -> memref<1x8192xi32, #tpu.memory_space<vmem>>
    %dma_wait3A_40 = tpu.memref_squeeze %dma_wait3A_39 : memref<1x8192xi32, #tpu.memory_space<vmem>> -> memref<8192xi32, #tpu.memory_space<vmem>>
    %dma_wait3A_41 = tpu.memref_slice %arg2[%dma_wait3A, %add3A_4] : memref<2x1048576xi32, #tpu.memory_space<hbm>> -> memref<1x8192xi32, #tpu.memory_space<hbm>>
    %dma_wait3A_42 = tpu.memref_squeeze %dma_wait3A_41 : memref<1x8192xi32, #tpu.memory_space<hbm>> -> memref<8192xi32, #tpu.memory_space<hbm>>
    %dma_wait3A_43 = tpu.memref_slice %arg10[%dma_wait3A_37] : memref<2x!tpu.dma_semaphore, #tpu.memory_space<semaphore_mem>> -> memref<1x!tpu.dma_semaphore, #tpu.memory_space<semaphore_mem>>
    %dma_wait3A_44 = tpu.memref_squeeze %dma_wait3A_43 : memref<1x!tpu.dma_semaphore, #tpu.memory_space<semaphore_mem>> -> memref<!tpu.dma_semaphore, #tpu.memory_space<semaphore_mem>>
    %dma_wait3A_45 = arith.constant 0 : i32
    %dma_wait3A_46 = tpu.memref_slice %arg7[%dma_wait3A_36, %dma_wait3A_45] : memref<2x8192xi32, #tpu.memory_space<vmem>> -> memref<1x8192xi32, #tpu.memory_space<vmem>>
    %dma_wait3A_47 = tpu.memref_squeeze %dma_wait3A_46 : memref<1x8192xi32, #tpu.memory_space<vmem>> -> memref<8192xi32, #tpu.memory_space<vmem>>
    %dma_wait3A_48 = tpu.memref_slice %arg2[%dma_wait3A, %add3A_4] : memref<2x1048576xi32, #tpu.memory_space<hbm>> -> memref<1x8192xi32, #tpu.memory_space<hbm>>
    %dma_wait3A_49 = tpu.memref_squeeze %dma_wait3A_48 : memref<1x8192xi32, #tpu.memory_space<hbm>> -> memref<8192xi32, #tpu.memory_space<hbm>>
    tpu.wait_dma2 semaphore(%dma_wait3A_44 : memref<!tpu.dma_semaphore, #tpu.memory_space<semaphore_mem>>) src(%dma_wait3A_49 : memref<8192xi32, #tpu.memory_space<hbm>>) dst(%dma_wait3A_47 : memref<8192xi32, #tpu.memory_space<vmem>>)
    %parallel_loop3A = arith.constant 0 : i32
    %parallel_loop3A_50 = arith.constant 8192 : i32
    %parallel_loop3A_51 = arith.constant 16 : i32
    scf.for %parallel_loop3A_488 = %parallel_loop3A to %parallel_loop3A_50 step %parallel_loop3A_51  : i32 {
      %parallel_loop3A_489 = arith.constant 0 : i32
      %parallel_loop3A_490 = arith.index_cast %parallel_loop3A_489 : i32 to index
      %parallel_loop3A_491 = arith.index_cast %parallel_loop3A_488 : i32 to index
      %parallel_loop3A_492 = tpu.vector_load %arg7[%parallel_loop3A_490, %parallel_loop3A_491] {strides = array<i32>} : memref<2x8192xi32, #tpu.memory_space<vmem>>, vector<16xi32>,
      %parallel_loop3A_493 = tpu.vector_load_idx %arg6[%parallel_loop3A_492] : memref<65536xi32, #tpu.memory_space<vmem>>[vector<16xi32>], vector<16xi32>,
      %parallel_loop3A_494 = arith.constant 0 : i32
      %parallel_loop3A_495 = arith.index_cast %parallel_loop3A_494 : i32 to index
      %parallel_loop3A_496 = arith.index_cast %parallel_loop3A_488 : i32 to index
      %parallel_loop3A_497 = tpu.vector_load %arg8[%parallel_loop3A_495, %parallel_loop3A_496] {strides = array<i32>} : memref<2x8192xi32, #tpu.memory_space<vmem>>, vector<16xi32>,
      tpu.vector_store %arg8[%parallel_loop3A_495, %parallel_loop3A_496], %parallel_loop3A_493 {strides = array<i32>} : memref<2x8192xi32, #tpu.memory_space<vmem>>, vector<16xi32>,
    } {sc.loop_unroll_factor = 8 : i64, sc.parallel_access}
    %add3A_52 = arith.constant 16384 : i32
    %add3A_53 = arith.addi %mul3A_2, %add3A_52 : i32
    %dma_start3A_54 = arith.constant 0 : i32
    %dma_start3A_55 = arith.constant 0 : i32
    %dma_start3A_56 = arith.constant 0 : i32
    %dma_start3A_57 = arith.constant 0 : i32
    %dma_start3A_58 = tpu.memref_slice %arg7[%dma_start3A_55, %dma_start3A_57] : memref<2x8192xi32, #tpu.memory_space<vmem>> -> memref<1x8192xi32, #tpu.memory_space<vmem>>
    %dma_start3A_59 = tpu.memref_squeeze %dma_start3A_58 : memref<1x8192xi32, #tpu.memory_space<vmem>> -> memref<8192xi32, #tpu.memory_space<vmem>>
    %dma_start3A_60 = tpu.memref_slice %arg2[%dma_start3A_54, %add3A_53] : memref<2x1048576xi32, #tpu.memory_space<hbm>> -> memref<1x8192xi32, #tpu.memory_space<hbm>>
    %dma_start3A_61 = tpu.memref_squeeze %dma_start3A_60 : memref<1x8192xi32, #tpu.memory_space<hbm>> -> memref<8192xi32, #tpu.memory_space<hbm>>
    %dma_start3A_62 = tpu.memref_slice %arg10[%dma_start3A_56] : memref<2x!tpu.dma_semaphore, #tpu.memory_space<semaphore_mem>> -> memref<1x!tpu.dma_semaphore, #tpu.memory_space<semaphore_mem>>
    %dma_start3A_63 = tpu.memref_squeeze %dma_start3A_62 : memref<1x!tpu.dma_semaphore, #tpu.memory_space<semaphore_mem>> -> memref<!tpu.dma_semaphore, #tpu.memory_space<semaphore_mem>>
    %dma_start3A_64 = arith.constant 0 : i32
    %dma_start3A_65 = tpu.memref_slice %arg7[%dma_start3A_55, %dma_start3A_64] : memref<2x8192xi32, #tpu.memory_space<vmem>> -> memref<1x8192xi32, #tpu.memory_space<vmem>>
    %dma_start3A_66 = tpu.memref_squeeze %dma_start3A_65 : memref<1x8192xi32, #tpu.memory_space<vmem>> -> memref<8192xi32, #tpu.memory_space<vmem>>
    %dma_start3A_67 = tpu.memref_slice %arg2[%dma_start3A_54, %add3A_53] : memref<2x1048576xi32, #tpu.memory_space<hbm>> -> memref<1x8192xi32, #tpu.memory_space<hbm>>
    %dma_start3A_68 = tpu.memref_squeeze %dma_start3A_67 : memref<1x8192xi32, #tpu.memory_space<hbm>> -> memref<8192xi32, #tpu.memory_space<hbm>>
    tpu.enqueue_dma source(%dma_start3A_68 : memref<8192xi32, #tpu.memory_space<hbm>>) target(%dma_start3A_66 : memref<8192xi32, #tpu.memory_space<vmem>>) target_semaphore(%dma_start3A_63 : memref<!tpu.dma_semaphore, #tpu.memory_space<semaphore_mem>>)
    %add3A_69 = arith.constant 0 : i32
    %add3A_70 = arith.addi %mul3A_2, %add3A_69 : i32
    %dma_start3A_71 = arith.constant 0 : i32
    %dma_start3A_72 = arith.constant 0 : i32
    %dma_start3A_73 = arith.constant 0 : i32
    %dma_start3A_74 = tpu.memref_slice %arg8[%dma_start3A_71, %dma_start3A_73] : memref<2x8192xi32, #tpu.memory_space<vmem>> -> memref<1x8192xi32, #tpu.memory_space<vmem>>
    %dma_start3A_75 = tpu.memref_squeeze %dma_start3A_74 : memref<1x8192xi32, #tpu.memory_space<vmem>> -> memref<8192xi32, #tpu.memory_space<vmem>>
    %dma_start3A_76 = tpu.memref_slice %arg4[%add3A_70] : memref<1048576xi32, #tpu.memory_space<hbm>> -> memref<8192xi32, #tpu.memory_space<hbm>>
    %dma_start3A_77 = tpu.memref_slice %arg11[%dma_start3A_72] : memref<2x!tpu.dma_semaphore, #tpu.memory_space<semaphore_mem>> -> memref<1x!tpu.dma_semaphore, #tpu.memory_space<semaphore_mem>>
    %dma_start3A_78 = tpu.memref_squeeze %dma_start3A_77 : memref<1x!tpu.dma_semaphore, #tpu.memory_space<semaphore_mem>> -> memref<!tpu.dma_semaphore, #tpu.memory_space<semaphore_mem>>
    %dma_start3A_79 = tpu.memref_slice %arg4[%add3A_70] : memref<1048576xi32, #tpu.memory_space<hbm>> -> memref<8192xi32, #tpu.memory_space<hbm>>
    %dma_start3A_80 = arith.constant 0 : i32
    %dma_start3A_81 = tpu.memref_slice %arg8[%dma_start3A_71, %dma_start3A_80] : memref<2x8192xi32, #tpu.memory_space<vmem>> -> memref<1x8192xi32, #tpu.memory_space<vmem>>
    %dma_start3A_82 = tpu.memref_squeeze %dma_start3A_81 : memref<1x8192xi32, #tpu.memory_space<vmem>> -> memref<8192xi32, #tpu.memory_space<vmem>>
    tpu.enqueue_dma source(%dma_start3A_82 : memref<8192xi32, #tpu.memory_space<vmem>>) target(%dma_start3A_79 : memref<8192xi32, #tpu.memory_space<hbm>>) target_semaphore(%dma_start3A_78 : memref<!tpu.dma_semaphore, #tpu.memory_space<semaphore_mem>>)
    %dma_wait3A_83 = arith.constant 0 : i32
    %dma_wait3A_84 = arith.constant 1 : i32
    %dma_wait3A_85 = arith.constant 1 : i32
    %dma_wait3A_86 = arith.constant 0 : i32
    %dma_wait3A_87 = tpu.memref_slice %arg7[%dma_wait3A_84, %dma_wait3A_86] : memref<2x8192xi32, #tpu.memory_space<vmem>> -> memref<1x8192xi32, #tpu.memory_space<vmem>>
    %dma_wait3A_88 = tpu.memref_squeeze %dma_wait3A_87 : memref<1x8192xi32, #tpu.memory_space<vmem>> -> memref<8192xi32, #tpu.memory_space<vmem>>
    %dma_wait3A_89 = tpu.memref_slice %arg2[%dma_wait3A_83, %add3A_20] : memref<2x1048576xi32, #tpu.memory_space<hbm>> -> memref<1x8192xi32, #tpu.memory_space<hbm>>
    %dma_wait3A_90 = tpu.memref_squeeze %dma_wait3A_89 : memref<1x8192xi32, #tpu.memory_space<hbm>> -> memref<8192xi32, #tpu.memory_space<hbm>>
    %dma_wait3A_91 = tpu.memref_slice %arg10[%dma_wait3A_85] : memref<2x!tpu.dma_semaphore, #tpu.memory_space<semaphore_mem>> -> memref<1x!tpu.dma_semaphore, #tpu.memory_space<semaphore_mem>>
    %dma_wait3A_92 = tpu.memref_squeeze %dma_wait3A_91 : memref<1x!tpu.dma_semaphore, #tpu.memory_space<semaphore_mem>> -> memref<!tpu.dma_semaphore, #tpu.memory_space<semaphore_mem>>
    %dma_wait3A_93 = arith.constant 0 : i32
    %dma_wait3A_94 = tpu.memref_slice %arg7[%dma_wait3A_84, %dma_wait3A_93] : memref<2x8192xi32, #tpu.memory_space<vmem>> -> memref<1x8192xi32, #tpu.memory_space<vmem>>
    %dma_wait3A_95 = tpu.memref_squeeze %dma_wait3A_94 : memref<1x8192xi32, #tpu.memory_space<vmem>> -> memref<8192xi32, #tpu.memory_space<vmem>>
    %dma_wait3A_96 = tpu.memref_slice %arg2[%dma_wait3A_83, %add3A_20] : memref<2x1048576xi32, #tpu.memory_space<hbm>> -> memref<1x8192xi32, #tpu.memory_space<hbm>>
    %dma_wait3A_97 = tpu.memref_squeeze %dma_wait3A_96 : memref<1x8192xi32, #tpu.memory_space<hbm>> -> memref<8192xi32, #tpu.memory_space<hbm>>
    tpu.wait_dma2 semaphore(%dma_wait3A_92 : memref<!tpu.dma_semaphore, #tpu.memory_space<semaphore_mem>>) src(%dma_wait3A_97 : memref<8192xi32, #tpu.memory_space<hbm>>) dst(%dma_wait3A_95 : memref<8192xi32, #tpu.memory_space<vmem>>)
    %parallel_loop3A_98 = arith.constant 0 : i32
    %parallel_loop3A_99 = arith.constant 8192 : i32
    %parallel_loop3A_100 = arith.constant 16 : i32
    scf.for %parallel_loop3A_488 = %parallel_loop3A_98 to %parallel_loop3A_99 step %parallel_loop3A_100  : i32 {
      %parallel_loop3A_489 = arith.constant 1 : i32
      %parallel_loop3A_490 = arith.index_cast %parallel_loop3A_489 : i32 to index
      %parallel_loop3A_491 = arith.index_cast %parallel_loop3A_488 : i32 to index
      %parallel_loop3A_492 = tpu.vector_load %arg7[%parallel_loop3A_490, %parallel_loop3A_491] {strides = array<i32>} : memref<2x8192xi32, #tpu.memory_space<vmem>>, vector<16xi32>,
      %parallel_loop3A_493 = tpu.vector_load_idx %arg6[%parallel_loop3A_492] : memref<65536xi32, #tpu.memory_space<vmem>>[vector<16xi32>], vector<16xi32>,
      %parallel_loop3A_494 = arith.constant 1 : i32
      %parallel_loop3A_495 = arith.index_cast %parallel_loop3A_494 : i32 to index
      %parallel_loop3A_496 = arith.index_cast %parallel_loop3A_488 : i32 to index
      %parallel_loop3A_497 = tpu.vector_load %arg8[%parallel_loop3A_495, %parallel_loop3A_496] {strides = array<i32>} : memref<2x8192xi32, #tpu.memory_space<vmem>>, vector<16xi32>,
      tpu.vector_store %arg8[%parallel_loop3A_495, %parallel_loop3A_496], %parallel_loop3A_493 {strides = array<i32>} : memref<2x8192xi32, #tpu.memory_space<vmem>>, vector<16xi32>,
    } {sc.loop_unroll_factor = 8 : i64, sc.parallel_access}
    %add3A_101 = arith.constant 24576 : i32
    %add3A_102 = arith.addi %mul3A_2, %add3A_101 : i32
    %dma_start3A_103 = arith.constant 0 : i32
    %dma_start3A_104 = arith.constant 1 : i32
    %dma_start3A_105 = arith.constant 1 : i32
    %dma_start3A_106 = arith.constant 0 : i32
    %dma_start3A_107 = tpu.memref_slice %arg7[%dma_start3A_104, %dma_start3A_106] : memref<2x8192xi32, #tpu.memory_space<vmem>> -> memref<1x8192xi32, #tpu.memory_space<vmem>>
    %dma_start3A_108 = tpu.memref_squeeze %dma_start3A_107 : memref<1x8192xi32, #tpu.memory_space<vmem>> -> memref<8192xi32, #tpu.memory_space<vmem>>
    %dma_start3A_109 = tpu.memref_slice %arg2[%dma_start3A_103, %add3A_102] : memref<2x1048576xi32, #tpu.memory_space<hbm>> -> memref<1x8192xi32, #tpu.memory_space<hbm>>
    %dma_start3A_110 = tpu.memref_squeeze %dma_start3A_109 : memref<1x8192xi32, #tpu.memory_space<hbm>> -> memref<8192xi32, #tpu.memory_space<hbm>>
    %dma_start3A_111 = tpu.memref_slice %arg10[%dma_start3A_105] : memref<2x!tpu.dma_semaphore, #tpu.memory_space<semaphore_mem>> -> memref<1x!tpu.dma_semaphore, #tpu.memory_space<semaphore_mem>>
    %dma_start3A_112 = tpu.memref_squeeze %dma_start3A_111 : memref<1x!tpu.dma_semaphore, #tpu.memory_space<semaphore_mem>> -> memref<!tpu.dma_semaphore, #tpu.memory_space<semaphore_mem>>
    %dma_start3A_113 = arith.constant 0 : i32
    %dma_start3A_114 = tpu.memref_slice %arg7[%dma_start3A_104, %dma_start3A_113] : memref<2x8192xi32, #tpu.memory_space<vmem>> -> memref<1x8192xi32, #tpu.memory_space<vmem>>
    %dma_start3A_115 = tpu.memref_squeeze %dma_start3A_114 : memref<1x8192xi32, #tpu.memory_space<vmem>> -> memref<8192xi32, #tpu.memory_space<vmem>>
    %dma_start3A_116 = tpu.memref_slice %arg2[%dma_start3A_103, %add3A_102] : memref<2x1048576xi32, #tpu.memory_space<hbm>> -> memref<1x8192xi32, #tpu.memory_space<hbm>>
    %dma_start3A_117 = tpu.memref_squeeze %dma_start3A_116 : memref<1x8192xi32, #tpu.memory_space<hbm>> -> memref<8192xi32, #tpu.memory_space<hbm>>
    tpu.enqueue_dma source(%dma_start3A_117 : memref<8192xi32, #tpu.memory_space<hbm>>) target(%dma_start3A_115 : memref<8192xi32, #tpu.memory_space<vmem>>) target_semaphore(%dma_start3A_112 : memref<!tpu.dma_semaphore, #tpu.memory_space<semaphore_mem>>)
    %add3A_118 = arith.constant 8192 : i32
    %add3A_119 = arith.addi %mul3A_2, %add3A_118 : i32
    %dma_start3A_120 = arith.constant 1 : i32
    %dma_start3A_121 = arith.constant 1 : i32
    %dma_start3A_122 = arith.constant 0 : i32
    %dma_start3A_123 = tpu.memref_slice %arg8[%dma_start3A_120, %dma_start3A_122] : memref<2x8192xi32, #tpu.memory_space<vmem>> -> memref<1x8192xi32, #tpu.memory_space<vmem>>
    %dma_start3A_124 = tpu.memref_squeeze %dma_start3A_123 : memref<1x8192xi32, #tpu.memory_space<vmem>> -> memref<8192xi32, #tpu.memory_space<vmem>>
    %dma_start3A_125 = tpu.memref_slice %arg4[%add3A_119] : memref<1048576xi32, #tpu.memory_space<hbm>> -> memref<8192xi32, #tpu.memory_space<hbm>>
    %dma_start3A_126 = tpu.memref_slice %arg11[%dma_start3A_121] : memref<2x!tpu.dma_semaphore, #tpu.memory_space<semaphore_mem>> -> memref<1x!tpu.dma_semaphore, #tpu.memory_space<semaphore_mem>>
    %dma_start3A_127 = tpu.memref_squeeze %dma_start3A_126 : memref<1x!tpu.dma_semaphore, #tpu.memory_space<semaphore_mem>> -> memref<!tpu.dma_semaphore, #tpu.memory_space<semaphore_mem>>
    %dma_start3A_128 = tpu.memref_slice %arg4[%add3A_119] : memref<1048576xi32, #tpu.memory_space<hbm>> -> memref<8192xi32, #tpu.memory_space<hbm>>
    %dma_start3A_129 = arith.constant 0 : i32
    %dma_start3A_130 = tpu.memref_slice %arg8[%dma_start3A_120, %dma_start3A_129] : memref<2x8192xi32, #tpu.memory_space<vmem>> -> memref<1x8192xi32, #tpu.memory_space<vmem>>
    %dma_start3A_131 = tpu.memref_squeeze %dma_start3A_130 : memref<1x8192xi32, #tpu.memory_space<vmem>> -> memref<8192xi32, #tpu.memory_space<vmem>>
    tpu.enqueue_dma source(%dma_start3A_131 : memref<8192xi32, #tpu.memory_space<vmem>>) target(%dma_start3A_128 : memref<8192xi32, #tpu.memory_space<hbm>>) target_semaphore(%dma_start3A_127 : memref<!tpu.dma_semaphore, #tpu.memory_space<semaphore_mem>>)
    %dma_wait3A_132 = arith.constant 0 : i32
    %dma_wait3A_133 = arith.constant 0 : i32
    %dma_wait3A_134 = arith.constant 0 : i32
    %dma_wait3A_135 = arith.constant 0 : i32
    %dma_wait3A_136 = tpu.memref_slice %arg7[%dma_wait3A_133, %dma_wait3A_135] : memref<2x8192xi32, #tpu.memory_space<vmem>> -> memref<1x8192xi32, #tpu.memory_space<vmem>>
    %dma_wait3A_137 = tpu.memref_squeeze %dma_wait3A_136 : memref<1x8192xi32, #tpu.memory_space<vmem>> -> memref<8192xi32, #tpu.memory_space<vmem>>
    %dma_wait3A_138 = tpu.memref_slice %arg2[%dma_wait3A_132, %add3A_53] : memref<2x1048576xi32, #tpu.memory_space<hbm>> -> memref<1x8192xi32, #tpu.memory_space<hbm>>
    %dma_wait3A_139 = tpu.memref_squeeze %dma_wait3A_138 : memref<1x8192xi32, #tpu.memory_space<hbm>> -> memref<8192xi32, #tpu.memory_space<hbm>>
    %dma_wait3A_140 = tpu.memref_slice %arg10[%dma_wait3A_134] : memref<2x!tpu.dma_semaphore, #tpu.memory_space<semaphore_mem>> -> memref<1x!tpu.dma_semaphore, #tpu.memory_space<semaphore_mem>>
    %dma_wait3A_141 = tpu.memref_squeeze %dma_wait3A_140 : memref<1x!tpu.dma_semaphore, #tpu.memory_space<semaphore_mem>> -> memref<!tpu.dma_semaphore, #tpu.memory_space<semaphore_mem>>
    %dma_wait3A_142 = arith.constant 0 : i32
    %dma_wait3A_143 = tpu.memref_slice %arg7[%dma_wait3A_133, %dma_wait3A_142] : memref<2x8192xi32, #tpu.memory_space<vmem>> -> memref<1x8192xi32, #tpu.memory_space<vmem>>
    %dma_wait3A_144 = tpu.memref_squeeze %dma_wait3A_143 : memref<1x8192xi32, #tpu.memory_space<vmem>> -> memref<8192xi32, #tpu.memory_space<vmem>>
    %dma_wait3A_145 = tpu.memref_slice %arg2[%dma_wait3A_132, %add3A_53] : memref<2x1048576xi32, #tpu.memory_space<hbm>> -> memref<1x8192xi32, #tpu.memory_space<hbm>>
    %dma_wait3A_146 = tpu.memref_squeeze %dma_wait3A_145 : memref<1x8192xi32, #tpu.memory_space<hbm>> -> memref<8192xi32, #tpu.memory_space<hbm>>
    tpu.wait_dma2 semaphore(%dma_wait3A_141 : memref<!tpu.dma_semaphore, #tpu.memory_space<semaphore_mem>>) src(%dma_wait3A_146 : memref<8192xi32, #tpu.memory_space<hbm>>) dst(%dma_wait3A_144 : memref<8192xi32, #tpu.memory_space<vmem>>)
    %dma_wait3A_147 = arith.constant 0 : i32
    %dma_wait3A_148 = arith.constant 0 : i32
    %dma_wait3A_149 = arith.constant 0 : i32
    %dma_wait3A_150 = tpu.memref_slice %arg8[%dma_wait3A_147, %dma_wait3A_149] : memref<2x8192xi32, #tpu.memory_space<vmem>> -> memref<1x8192xi32, #tpu.memory_space<vmem>>
    %dma_wait3A_151 = tpu.memref_squeeze %dma_wait3A_150 : memref<1x8192xi32, #tpu.memory_space<vmem>> -> memref<8192xi32, #tpu.memory_space<vmem>>
    %dma_wait3A_152 = tpu.memref_slice %arg4[%add3A_70] : memref<1048576xi32, #tpu.memory_space<hbm>> -> memref<8192xi32, #tpu.memory_space<hbm>>
    %dma_wait3A_153 = tpu.memref_slice %arg11[%dma_wait3A_148] : memref<2x!tpu.dma_semaphore, #tpu.memory_space<semaphore_mem>> -> memref<1x!tpu.dma_semaphore, #tpu.memory_space<semaphore_mem>>
    %dma_wait3A_154 = tpu.memref_squeeze %dma_wait3A_153 : memref<1x!tpu.dma_semaphore, #tpu.memory_space<semaphore_mem>> -> memref<!tpu.dma_semaphore, #tpu.memory_space<semaphore_mem>>
    %dma_wait3A_155 = tpu.memref_slice %arg4[%add3A_70] : memref<1048576xi32, #tpu.memory_space<hbm>> -> memref<8192xi32, #tpu.memory_space<hbm>>
    %dma_wait3A_156 = arith.constant 0 : i32
    %dma_wait3A_157 = tpu.memref_slice %arg8[%dma_wait3A_147, %dma_wait3A_156] : memref<2x8192xi32, #tpu.memory_space<vmem>> -> memref<1x8192xi32, #tpu.memory_space<vmem>>
    %dma_wait3A_158 = tpu.memref_squeeze %dma_wait3A_157 : memref<1x8192xi32, #tpu.memory_space<vmem>> -> memref<8192xi32, #tpu.memory_space<vmem>>
    tpu.wait_dma2 semaphore(%dma_wait3A_154 : memref<!tpu.dma_semaphore, #tpu.memory_space<semaphore_mem>>) src(%dma_wait3A_158 : memref<8192xi32, #tpu.memory_space<vmem>>) dst(%dma_wait3A_155 : memref<8192xi32, #tpu.memory_space<hbm>>)
    %parallel_loop3A_159 = arith.constant 0 : i32
    %parallel_loop3A_160 = arith.constant 8192 : i32
    %parallel_loop3A_161 = arith.constant 16 : i32
    scf.for %parallel_loop3A_488 = %parallel_loop3A_159 to %parallel_loop3A_160 step %parallel_loop3A_161  : i32 {
      %parallel_loop3A_489 = arith.constant 0 : i32
      %parallel_loop3A_490 = arith.index_cast %parallel_loop3A_489 : i32 to index
      %parallel_loop3A_491 = arith.index_cast %parallel_loop3A_488 : i32 to index
      %parallel_loop3A_492 = tpu.vector_load %arg7[%parallel_loop3A_490, %parallel_loop3A_491] {strides = array<i32>} : memref<2x8192xi32, #tpu.memory_space<vmem>>, vector<16xi32>,
      %parallel_loop3A_493 = tpu.vector_load_idx %arg6[%parallel_loop3A_492] : memref<65536xi32, #tpu.memory_space<vmem>>[vector<16xi32>], vector<16xi32>,
      %parallel_loop3A_494 = arith.constant 0 : i32
      %parallel_loop3A_495 = arith.index_cast %parallel_loop3A_494 : i32 to index
      %parallel_loop3A_496 = arith.index_cast %parallel_loop3A_488 : i32 to index
      %parallel_loop3A_497 = tpu.vector_load %arg8[%parallel_loop3A_495, %parallel_loop3A_496] {strides = array<i32>} : memref<2x8192xi32, #tpu.memory_space<vmem>>, vector<16xi32>,
      tpu.vector_store %arg8[%parallel_loop3A_495, %parallel_loop3A_496], %parallel_loop3A_493 {strides = array<i32>} : memref<2x8192xi32, #tpu.memory_space<vmem>>, vector<16xi32>,
    } {sc.loop_unroll_factor = 8 : i64, sc.parallel_access}
    %add3A_162 = arith.constant 0 : i32
    %add3A_163 = arith.addi %mul3A_2, %add3A_162 : i32
    %dma_start3A_164 = arith.constant 1 : i32
    %dma_start3A_165 = arith.constant 0 : i32
    %dma_start3A_166 = arith.constant 0 : i32
    %dma_start3A_167 = arith.constant 0 : i32
    %dma_start3A_168 = tpu.memref_slice %arg7[%dma_start3A_165, %dma_start3A_167] : memref<2x8192xi32, #tpu.memory_space<vmem>> -> memref<1x8192xi32, #tpu.memory_space<vmem>>
    %dma_start3A_169 = tpu.memref_squeeze %dma_start3A_168 : memref<1x8192xi32, #tpu.memory_space<vmem>> -> memref<8192xi32, #tpu.memory_space<vmem>>
    %dma_start3A_170 = tpu.memref_slice %arg2[%dma_start3A_164, %add3A_163] : memref<2x1048576xi32, #tpu.memory_space<hbm>> -> memref<1x8192xi32, #tpu.memory_space<hbm>>
    %dma_start3A_171 = tpu.memref_squeeze %dma_start3A_170 : memref<1x8192xi32, #tpu.memory_space<hbm>> -> memref<8192xi32, #tpu.memory_space<hbm>>
    %dma_start3A_172 = tpu.memref_slice %arg10[%dma_start3A_166] : memref<2x!tpu.dma_semaphore, #tpu.memory_space<semaphore_mem>> -> memref<1x!tpu.dma_semaphore, #tpu.memory_space<semaphore_mem>>
    %dma_start3A_173 = tpu.memref_squeeze %dma_start3A_172 : memref<1x!tpu.dma_semaphore, #tpu.memory_space<semaphore_mem>> -> memref<!tpu.dma_semaphore, #tpu.memory_space<semaphore_mem>>
    %dma_start3A_174 = arith.constant 0 : i32
    %dma_start3A_175 = tpu.memref_slice %arg7[%dma_start3A_165, %dma_start3A_174] : memref<2x8192xi32, #tpu.memory_space<vmem>> -> memref<1x8192xi32, #tpu.memory_space<vmem>>
    %dma_start3A_176 = tpu.memref_squeeze %dma_start3A_175 : memref<1x8192xi32, #tpu.memory_space<vmem>> -> memref<8192xi32, #tpu.memory_space<vmem>>
    %dma_start3A_177 = tpu.memref_slice %arg2[%dma_start3A_164, %add3A_163] : memref<2x1048576xi32, #tpu.memory_space<hbm>> -> memref<1x8192xi32, #tpu.memory_space<hbm>>
    %dma_start3A_178 = tpu.memref_squeeze %dma_start3A_177 : memref<1x8192xi32, #tpu.memory_space<hbm>> -> memref<8192xi32, #tpu.memory_space<hbm>>
    tpu.enqueue_dma source(%dma_start3A_178 : memref<8192xi32, #tpu.memory_space<hbm>>) target(%dma_start3A_176 : memref<8192xi32, #tpu.memory_space<vmem>>) target_semaphore(%dma_start3A_173 : memref<!tpu.dma_semaphore, #tpu.memory_space<semaphore_mem>>)
    %add3A_179 = arith.constant 16384 : i32
    %add3A_180 = arith.addi %mul3A_2, %add3A_179 : i32
    %dma_start3A_181 = arith.constant 0 : i32
    %dma_start3A_182 = arith.constant 0 : i32
    %dma_start3A_183 = arith.constant 0 : i32
    %dma_start3A_184 = tpu.memref_slice %arg8[%dma_start3A_181, %dma_start3A_183] : memref<2x8192xi32, #tpu.memory_space<vmem>> -> memref<1x8192xi32, #tpu.memory_space<vmem>>
    %dma_start3A_185 = tpu.memref_squeeze %dma_start3A_184 : memref<1x8192xi32, #tpu.memory_space<vmem>> -> memref<8192xi32, #tpu.memory_space<vmem>>
    %dma_start3A_186 = tpu.memref_slice %arg4[%add3A_180] : memref<1048576xi32, #tpu.memory_space<hbm>> -> memref<8192xi32, #tpu.memory_space<hbm>>
    %dma_start3A_187 = tpu.memref_slice %arg11[%dma_start3A_182] : memref<2x!tpu.dma_semaphore, #tpu.memory_space<semaphore_mem>> -> memref<1x!tpu.dma_semaphore, #tpu.memory_space<semaphore_mem>>
    %dma_start3A_188 = tpu.memref_squeeze %dma_start3A_187 : memref<1x!tpu.dma_semaphore, #tpu.memory_space<semaphore_mem>> -> memref<!tpu.dma_semaphore, #tpu.memory_space<semaphore_mem>>
    %dma_start3A_189 = tpu.memref_slice %arg4[%add3A_180] : memref<1048576xi32, #tpu.memory_space<hbm>> -> memref<8192xi32, #tpu.memory_space<hbm>>
    %dma_start3A_190 = arith.constant 0 : i32
    %dma_start3A_191 = tpu.memref_slice %arg8[%dma_start3A_181, %dma_start3A_190] : memref<2x8192xi32, #tpu.memory_space<vmem>> -> memref<1x8192xi32, #tpu.memory_space<vmem>>
    %dma_start3A_192 = tpu.memref_squeeze %dma_start3A_191 : memref<1x8192xi32, #tpu.memory_space<vmem>> -> memref<8192xi32, #tpu.memory_space<vmem>>
    tpu.enqueue_dma source(%dma_start3A_192 : memref<8192xi32, #tpu.memory_space<vmem>>) target(%dma_start3A_189 : memref<8192xi32, #tpu.memory_space<hbm>>) target_semaphore(%dma_start3A_188 : memref<!tpu.dma_semaphore, #tpu.memory_space<semaphore_mem>>)
    %dma_wait3A_193 = arith.constant 0 : i32
    %dma_wait3A_194 = arith.constant 1 : i32
    %dma_wait3A_195 = arith.constant 1 : i32
    %dma_wait3A_196 = arith.constant 0 : i32
    %dma_wait3A_197 = tpu.memref_slice %arg7[%dma_wait3A_194, %dma_wait3A_196] : memref<2x8192xi32, #tpu.memory_space<vmem>> -> memref<1x8192xi32, #tpu.memory_space<vmem>>
    %dma_wait3A_198 = tpu.memref_squeeze %dma_wait3A_197 : memref<1x8192xi32, #tpu.memory_space<vmem>> -> memref<8192xi32, #tpu.memory_space<vmem>>
    %dma_wait3A_199 = tpu.memref_slice %arg2[%dma_wait3A_193, %add3A_102] : memref<2x1048576xi32, #tpu.memory_space<hbm>> -> memref<1x8192xi32, #tpu.memory_space<hbm>>
    %dma_wait3A_200 = tpu.memref_squeeze %dma_wait3A_199 : memref<1x8192xi32, #tpu.memory_space<hbm>> -> memref<8192xi32, #tpu.memory_space<hbm>>
    %dma_wait3A_201 = tpu.memref_slice %arg10[%dma_wait3A_195] : memref<2x!tpu.dma_semaphore, #tpu.memory_space<semaphore_mem>> -> memref<1x!tpu.dma_semaphore, #tpu.memory_space<semaphore_mem>>
    %dma_wait3A_202 = tpu.memref_squeeze %dma_wait3A_201 : memref<1x!tpu.dma_semaphore, #tpu.memory_space<semaphore_mem>> -> memref<!tpu.dma_semaphore, #tpu.memory_space<semaphore_mem>>
    %dma_wait3A_203 = arith.constant 0 : i32
    %dma_wait3A_204 = tpu.memref_slice %arg7[%dma_wait3A_194, %dma_wait3A_203] : memref<2x8192xi32, #tpu.memory_space<vmem>> -> memref<1x8192xi32, #tpu.memory_space<vmem>>
    %dma_wait3A_205 = tpu.memref_squeeze %dma_wait3A_204 : memref<1x8192xi32, #tpu.memory_space<vmem>> -> memref<8192xi32, #tpu.memory_space<vmem>>
    %dma_wait3A_206 = tpu.memref_slice %arg2[%dma_wait3A_193, %add3A_102] : memref<2x1048576xi32, #tpu.memory_space<hbm>> -> memref<1x8192xi32, #tpu.memory_space<hbm>>
    %dma_wait3A_207 = tpu.memref_squeeze %dma_wait3A_206 : memref<1x8192xi32, #tpu.memory_space<hbm>> -> memref<8192xi32, #tpu.memory_space<hbm>>
    tpu.wait_dma2 semaphore(%dma_wait3A_202 : memref<!tpu.dma_semaphore, #tpu.memory_space<semaphore_mem>>) src(%dma_wait3A_207 : memref<8192xi32, #tpu.memory_space<hbm>>) dst(%dma_wait3A_205 : memref<8192xi32, #tpu.memory_space<vmem>>)
    %dma_wait3A_208 = arith.constant 1 : i32
    %dma_wait3A_209 = arith.constant 1 : i32
    %dma_wait3A_210 = arith.constant 0 : i32
    %dma_wait3A_211 = tpu.memref_slice %arg8[%dma_wait3A_208, %dma_wait3A_210] : memref<2x8192xi32, #tpu.memory_space<vmem>> -> memref<1x8192xi32, #tpu.memory_space<vmem>>
    %dma_wait3A_212 = tpu.memref_squeeze %dma_wait3A_211 : memref<1x8192xi32, #tpu.memory_space<vmem>> -> memref<8192xi32, #tpu.memory_space<vmem>>
    %dma_wait3A_213 = tpu.memref_slice %arg4[%add3A_119] : memref<1048576xi32, #tpu.memory_space<hbm>> -> memref<8192xi32, #tpu.memory_space<hbm>>
    %dma_wait3A_214 = tpu.memref_slice %arg11[%dma_wait3A_209] : memref<2x!tpu.dma_semaphore, #tpu.memory_space<semaphore_mem>> -> memref<1x!tpu.dma_semaphore, #tpu.memory_space<semaphore_mem>>
    %dma_wait3A_215 = tpu.memref_squeeze %dma_wait3A_214 : memref<1x!tpu.dma_semaphore, #tpu.memory_space<semaphore_mem>> -> memref<!tpu.dma_semaphore, #tpu.memory_space<semaphore_mem>>
    %dma_wait3A_216 = tpu.memref_slice %arg4[%add3A_119] : memref<1048576xi32, #tpu.memory_space<hbm>> -> memref<8192xi32, #tpu.memory_space<hbm>>
    %dma_wait3A_217 = arith.constant 0 : i32
    %dma_wait3A_218 = tpu.memref_slice %arg8[%dma_wait3A_208, %dma_wait3A_217] : memref<2x8192xi32, #tpu.memory_space<vmem>> -> memref<1x8192xi32, #tpu.memory_space<vmem>>
    %dma_wait3A_219 = tpu.memref_squeeze %dma_wait3A_218 : memref<1x8192xi32, #tpu.memory_space<vmem>> -> memref<8192xi32, #tpu.memory_space<vmem>>
    tpu.wait_dma2 semaphore(%dma_wait3A_215 : memref<!tpu.dma_semaphore, #tpu.memory_space<semaphore_mem>>) src(%dma_wait3A_219 : memref<8192xi32, #tpu.memory_space<vmem>>) dst(%dma_wait3A_216 : memref<8192xi32, #tpu.memory_space<hbm>>)
    %parallel_loop3A_220 = arith.constant 0 : i32
    %parallel_loop3A_221 = arith.constant 8192 : i32
    %parallel_loop3A_222 = arith.constant 16 : i32
    scf.for %parallel_loop3A_488 = %parallel_loop3A_220 to %parallel_loop3A_221 step %parallel_loop3A_222  : i32 {
      %parallel_loop3A_489 = arith.constant 1 : i32
      %parallel_loop3A_490 = arith.index_cast %parallel_loop3A_489 : i32 to index
      %parallel_loop3A_491 = arith.index_cast %parallel_loop3A_488 : i32 to index
      %parallel_loop3A_492 = tpu.vector_load %arg7[%parallel_loop3A_490, %parallel_loop3A_491] {strides = array<i32>} : memref<2x8192xi32, #tpu.memory_space<vmem>>, vector<16xi32>,
      %parallel_loop3A_493 = tpu.vector_load_idx %arg6[%parallel_loop3A_492] : memref<65536xi32, #tpu.memory_space<vmem>>[vector<16xi32>], vector<16xi32>,
      %parallel_loop3A_494 = arith.constant 1 : i32
      %parallel_loop3A_495 = arith.index_cast %parallel_loop3A_494 : i32 to index
      %parallel_loop3A_496 = arith.index_cast %parallel_loop3A_488 : i32 to index
      %parallel_loop3A_497 = tpu.vector_load %arg8[%parallel_loop3A_495, %parallel_loop3A_496] {strides = array<i32>} : memref<2x8192xi32, #tpu.memory_space<vmem>>, vector<16xi32>,
      tpu.vector_store %arg8[%parallel_loop3A_495, %parallel_loop3A_496], %parallel_loop3A_493 {strides = array<i32>} : memref<2x8192xi32, #tpu.memory_space<vmem>>, vector<16xi32>,
    } {sc.loop_unroll_factor = 8 : i64, sc.parallel_access}
    %add3A_223 = arith.constant 8192 : i32
    %add3A_224 = arith.addi %mul3A_2, %add3A_223 : i32
    %dma_start3A_225 = arith.constant 1 : i32
    %dma_start3A_226 = arith.constant 1 : i32
    %dma_start3A_227 = arith.constant 1 : i32
    %dma_start3A_228 = arith.constant 0 : i32
    %dma_start3A_229 = tpu.memref_slice %arg7[%dma_start3A_226, %dma_start3A_228] : memref<2x8192xi32, #tpu.memory_space<vmem>> -> memref<1x8192xi32, #tpu.memory_space<vmem>>
    %dma_start3A_230 = tpu.memref_squeeze %dma_start3A_229 : memref<1x8192xi32, #tpu.memory_space<vmem>> -> memref<8192xi32, #tpu.memory_space<vmem>>
    %dma_start3A_231 = tpu.memref_slice %arg2[%dma_start3A_225, %add3A_224] : memref<2x1048576xi32, #tpu.memory_space<hbm>> -> memref<1x8192xi32, #tpu.memory_space<hbm>>
    %dma_start3A_232 = tpu.memref_squeeze %dma_start3A_231 : memref<1x8192xi32, #tpu.memory_space<hbm>> -> memref<8192xi32, #tpu.memory_space<hbm>>
    %dma_start3A_233 = tpu.memref_slice %arg10[%dma_start3A_227] : memref<2x!tpu.dma_semaphore, #tpu.memory_space<semaphore_mem>> -> memref<1x!tpu.dma_semaphore, #tpu.memory_space<semaphore_mem>>
    %dma_start3A_234 = tpu.memref_squeeze %dma_start3A_233 : memref<1x!tpu.dma_semaphore, #tpu.memory_space<semaphore_mem>> -> memref<!tpu.dma_semaphore, #tpu.memory_space<semaphore_mem>>
    %dma_start3A_235 = arith.constant 0 : i32
    %dma_start3A_236 = tpu.memref_slice %arg7[%dma_start3A_226, %dma_start3A_235] : memref<2x8192xi32, #tpu.memory_space<vmem>> -> memref<1x8192xi32, #tpu.memory_space<vmem>>
    %dma_start3A_237 = tpu.memref_squeeze %dma_start3A_236 : memref<1x8192xi32, #tpu.memory_space<vmem>> -> memref<8192xi32, #tpu.memory_space<vmem>>
    %dma_start3A_238 = tpu.memref_slice %arg2[%dma_start3A_225, %add3A_224] : memref<2x1048576xi32, #tpu.memory_space<hbm>> -> memref<1x8192xi32, #tpu.memory_space<hbm>>
    %dma_start3A_239 = tpu.memref_squeeze %dma_start3A_238 : memref<1x8192xi32, #tpu.memory_space<hbm>> -> memref<8192xi32, #tpu.memory_space<hbm>>
    tpu.enqueue_dma source(%dma_start3A_239 : memref<8192xi32, #tpu.memory_space<hbm>>) target(%dma_start3A_237 : memref<8192xi32, #tpu.memory_space<vmem>>) target_semaphore(%dma_start3A_234 : memref<!tpu.dma_semaphore, #tpu.memory_space<semaphore_mem>>)
    %add3A_240 = arith.constant 24576 : i32
    %add3A_241 = arith.addi %mul3A_2, %add3A_240 : i32
    %dma_start3A_242 = arith.constant 1 : i32
    %dma_start3A_243 = arith.constant 1 : i32
    %dma_start3A_244 = arith.constant 0 : i32
    %dma_start3A_245 = tpu.memref_slice %arg8[%dma_start3A_242, %dma_start3A_244] : memref<2x8192xi32, #tpu.memory_space<vmem>> -> memref<1x8192xi32, #tpu.memory_space<vmem>>
    %dma_start3A_246 = tpu.memref_squeeze %dma_start3A_245 : memref<1x8192xi32, #tpu.memory_space<vmem>> -> memref<8192xi32, #tpu.memory_space<vmem>>
    %dma_start3A_247 = tpu.memref_slice %arg4[%add3A_241] : memref<1048576xi32, #tpu.memory_space<hbm>> -> memref<8192xi32, #tpu.memory_space<hbm>>
    %dma_start3A_248 = tpu.memref_slice %arg11[%dma_start3A_243] : memref<2x!tpu.dma_semaphore, #tpu.memory_space<semaphore_mem>> -> memref<1x!tpu.dma_semaphore, #tpu.memory_space<semaphore_mem>>
    %dma_start3A_249 = tpu.memref_squeeze %dma_start3A_248 : memref<1x!tpu.dma_semaphore, #tpu.memory_space<semaphore_mem>> -> memref<!tpu.dma_semaphore, #tpu.memory_space<semaphore_mem>>
    %dma_start3A_250 = tpu.memref_slice %arg4[%add3A_241] : memref<1048576xi32, #tpu.memory_space<hbm>> -> memref<8192xi32, #tpu.memory_space<hbm>>
    %dma_start3A_251 = arith.constant 0 : i32
    %dma_start3A_252 = tpu.memref_slice %arg8[%dma_start3A_242, %dma_start3A_251] : memref<2x8192xi32, #tpu.memory_space<vmem>> -> memref<1x8192xi32, #tpu.memory_space<vmem>>
    %dma_start3A_253 = tpu.memref_squeeze %dma_start3A_252 : memref<1x8192xi32, #tpu.memory_space<vmem>> -> memref<8192xi32, #tpu.memory_space<vmem>>
    tpu.enqueue_dma source(%dma_start3A_253 : memref<8192xi32, #tpu.memory_space<vmem>>) target(%dma_start3A_250 : memref<8192xi32, #tpu.memory_space<hbm>>) target_semaphore(%dma_start3A_249 : memref<!tpu.dma_semaphore, #tpu.memory_space<semaphore_mem>>)
    %dma_wait3A_254 = arith.constant 1 : i32
    %dma_wait3A_255 = arith.constant 0 : i32
    %dma_wait3A_256 = arith.constant 0 : i32
    %dma_wait3A_257 = arith.constant 0 : i32
    %dma_wait3A_258 = tpu.memref_slice %arg7[%dma_wait3A_255, %dma_wait3A_257] : memref<2x8192xi32, #tpu.memory_space<vmem>> -> memref<1x8192xi32, #tpu.memory_space<vmem>>
    %dma_wait3A_259 = tpu.memref_squeeze %dma_wait3A_258 : memref<1x8192xi32, #tpu.memory_space<vmem>> -> memref<8192xi32, #tpu.memory_space<vmem>>
    %dma_wait3A_260 = tpu.memref_slice %arg2[%dma_wait3A_254, %add3A_163] : memref<2x1048576xi32, #tpu.memory_space<hbm>> -> memref<1x8192xi32, #tpu.memory_space<hbm>>
    %dma_wait3A_261 = tpu.memref_squeeze %dma_wait3A_260 : memref<1x8192xi32, #tpu.memory_space<hbm>> -> memref<8192xi32, #tpu.memory_space<hbm>>
    %dma_wait3A_262 = tpu.memref_slice %arg10[%dma_wait3A_256] : memref<2x!tpu.dma_semaphore, #tpu.memory_space<semaphore_mem>> -> memref<1x!tpu.dma_semaphore, #tpu.memory_space<semaphore_mem>>
    %dma_wait3A_263 = tpu.memref_squeeze %dma_wait3A_262 : memref<1x!tpu.dma_semaphore, #tpu.memory_space<semaphore_mem>> -> memref<!tpu.dma_semaphore, #tpu.memory_space<semaphore_mem>>
    %dma_wait3A_264 = arith.constant 0 : i32
    %dma_wait3A_265 = tpu.memref_slice %arg7[%dma_wait3A_255, %dma_wait3A_264] : memref<2x8192xi32, #tpu.memory_space<vmem>> -> memref<1x8192xi32, #tpu.memory_space<vmem>>
    %dma_wait3A_266 = tpu.memref_squeeze %dma_wait3A_265 : memref<1x8192xi32, #tpu.memory_space<vmem>> -> memref<8192xi32, #tpu.memory_space<vmem>>
    %dma_wait3A_267 = tpu.memref_slice %arg2[%dma_wait3A_254, %add3A_163] : memref<2x1048576xi32, #tpu.memory_space<hbm>> -> memref<1x8192xi32, #tpu.memory_space<hbm>>
    %dma_wait3A_268 = tpu.memref_squeeze %dma_wait3A_267 : memref<1x8192xi32, #tpu.memory_space<hbm>> -> memref<8192xi32, #tpu.memory_space<hbm>>
    tpu.wait_dma2 semaphore(%dma_wait3A_263 : memref<!tpu.dma_semaphore, #tpu.memory_space<semaphore_mem>>) src(%dma_wait3A_268 : memref<8192xi32, #tpu.memory_space<hbm>>) dst(%dma_wait3A_266 : memref<8192xi32, #tpu.memory_space<vmem>>)
    %dma_wait3A_269 = arith.constant 0 : i32
    %dma_wait3A_270 = arith.constant 0 : i32
    %dma_wait3A_271 = arith.constant 0 : i32
    %dma_wait3A_272 = tpu.memref_slice %arg8[%dma_wait3A_269, %dma_wait3A_271] : memref<2x8192xi32, #tpu.memory_space<vmem>> -> memref<1x8192xi32, #tpu.memory_space<vmem>>
    %dma_wait3A_273 = tpu.memref_squeeze %dma_wait3A_272 : memref<1x8192xi32, #tpu.memory_space<vmem>> -> memref<8192xi32, #tpu.memory_space<vmem>>
    %dma_wait3A_274 = tpu.memref_slice %arg4[%add3A_180] : memref<1048576xi32, #tpu.memory_space<hbm>> -> memref<8192xi32, #tpu.memory_space<hbm>>
    %dma_wait3A_275 = tpu.memref_slice %arg11[%dma_wait3A_270] : memref<2x!tpu.dma_semaphore, #tpu.memory_space<semaphore_mem>> -> memref<1x!tpu.dma_semaphore, #tpu.memory_space<semaphore_mem>>
    %dma_wait3A_276 = tpu.memref_squeeze %dma_wait3A_275 : memref<1x!tpu.dma_semaphore, #tpu.memory_space<semaphore_mem>> -> memref<!tpu.dma_semaphore, #tpu.memory_space<semaphore_mem>>
    %dma_wait3A_277 = tpu.memref_slice %arg4[%add3A_180] : memref<1048576xi32, #tpu.memory_space<hbm>> -> memref<8192xi32, #tpu.memory_space<hbm>>
    %dma_wait3A_278 = arith.constant 0 : i32
    %dma_wait3A_279 = tpu.memref_slice %arg8[%dma_wait3A_269, %dma_wait3A_278] : memref<2x8192xi32, #tpu.memory_space<vmem>> -> memref<1x8192xi32, #tpu.memory_space<vmem>>
    %dma_wait3A_280 = tpu.memref_squeeze %dma_wait3A_279 : memref<1x8192xi32, #tpu.memory_space<vmem>> -> memref<8192xi32, #tpu.memory_space<vmem>>
    tpu.wait_dma2 semaphore(%dma_wait3A_276 : memref<!tpu.dma_semaphore, #tpu.memory_space<semaphore_mem>>) src(%dma_wait3A_280 : memref<8192xi32, #tpu.memory_space<vmem>>) dst(%dma_wait3A_277 : memref<8192xi32, #tpu.memory_space<hbm>>)
    %parallel_loop3A_281 = arith.constant 0 : i32
    %parallel_loop3A_282 = arith.constant 8192 : i32
    %parallel_loop3A_283 = arith.constant 16 : i32
    scf.for %parallel_loop3A_488 = %parallel_loop3A_281 to %parallel_loop3A_282 step %parallel_loop3A_283  : i32 {
      %parallel_loop3A_489 = arith.constant 0 : i32
      %parallel_loop3A_490 = arith.index_cast %parallel_loop3A_489 : i32 to index
      %parallel_loop3A_491 = arith.index_cast %parallel_loop3A_488 : i32 to index
      %parallel_loop3A_492 = tpu.vector_load %arg7[%parallel_loop3A_490, %parallel_loop3A_491] {strides = array<i32>} : memref<2x8192xi32, #tpu.memory_space<vmem>>, vector<16xi32>,
      %parallel_loop3A_493 = tpu.vector_load_idx %arg6[%parallel_loop3A_492] : memref<65536xi32, #tpu.memory_space<vmem>>[vector<16xi32>], vector<16xi32>,
      %parallel_loop3A_494 = arith.constant 0 : i32
      %parallel_loop3A_495 = arith.index_cast %parallel_loop3A_494 : i32 to index
      %parallel_loop3A_496 = arith.index_cast %parallel_loop3A_488 : i32 to index
      %parallel_loop3A_497 = tpu.vector_load %arg8[%parallel_loop3A_495, %parallel_loop3A_496] {strides = array<i32>} : memref<2x8192xi32, #tpu.memory_space<vmem>>, vector<16xi32>,
      tpu.vector_store %arg8[%parallel_loop3A_495, %parallel_loop3A_496], %parallel_loop3A_493 {strides = array<i32>} : memref<2x8192xi32, #tpu.memory_space<vmem>>, vector<16xi32>,
    } {sc.loop_unroll_factor = 8 : i64, sc.parallel_access}
    %add3A_284 = arith.constant 16384 : i32
    %add3A_285 = arith.addi %mul3A_2, %add3A_284 : i32
    %dma_start3A_286 = arith.constant 1 : i32
    %dma_start3A_287 = arith.constant 0 : i32
    %dma_start3A_288 = arith.constant 0 : i32
    %dma_start3A_289 = arith.constant 0 : i32
    %dma_start3A_290 = tpu.memref_slice %arg7[%dma_start3A_287, %dma_start3A_289] : memref<2x8192xi32, #tpu.memory_space<vmem>> -> memref<1x8192xi32, #tpu.memory_space<vmem>>
    %dma_start3A_291 = tpu.memref_squeeze %dma_start3A_290 : memref<1x8192xi32, #tpu.memory_space<vmem>> -> memref<8192xi32, #tpu.memory_space<vmem>>
    %dma_start3A_292 = tpu.memref_slice %arg2[%dma_start3A_286, %add3A_285] : memref<2x1048576xi32, #tpu.memory_space<hbm>> -> memref<1x8192xi32, #tpu.memory_space<hbm>>
    %dma_start3A_293 = tpu.memref_squeeze %dma_start3A_292 : memref<1x8192xi32, #tpu.memory_space<hbm>> -> memref<8192xi32, #tpu.memory_space<hbm>>
    %dma_start3A_294 = tpu.memref_slice %arg10[%dma_start3A_288] : memref<2x!tpu.dma_semaphore, #tpu.memory_space<semaphore_mem>> -> memref<1x!tpu.dma_semaphore, #tpu.memory_space<semaphore_mem>>
    %dma_start3A_295 = tpu.memref_squeeze %dma_start3A_294 : memref<1x!tpu.dma_semaphore, #tpu.memory_space<semaphore_mem>> -> memref<!tpu.dma_semaphore, #tpu.memory_space<semaphore_mem>>
    %dma_start3A_296 = arith.constant 0 : i32
    %dma_start3A_297 = tpu.memref_slice %arg7[%dma_start3A_287, %dma_start3A_296] : memref<2x8192xi32, #tpu.memory_space<vmem>> -> memref<1x8192xi32, #tpu.memory_space<vmem>>
    %dma_start3A_298 = tpu.memref_squeeze %dma_start3A_297 : memref<1x8192xi32, #tpu.memory_space<vmem>> -> memref<8192xi32, #tpu.memory_space<vmem>>
    %dma_start3A_299 = tpu.memref_slice %arg2[%dma_start3A_286, %add3A_285] : memref<2x1048576xi32, #tpu.memory_space<hbm>> -> memref<1x8192xi32, #tpu.memory_space<hbm>>
    %dma_start3A_300 = tpu.memref_squeeze %dma_start3A_299 : memref<1x8192xi32, #tpu.memory_space<hbm>> -> memref<8192xi32, #tpu.memory_space<hbm>>
    tpu.enqueue_dma source(%dma_start3A_300 : memref<8192xi32, #tpu.memory_space<hbm>>) target(%dma_start3A_298 : memref<8192xi32, #tpu.memory_space<vmem>>) target_semaphore(%dma_start3A_295 : memref<!tpu.dma_semaphore, #tpu.memory_space<semaphore_mem>>)
    %add3A_301 = arith.constant 0 : i32
    %add3A_302 = arith.addi %mul3A_2, %add3A_301 : i32
    %dma_start3A_303 = arith.constant 0 : i32
    %dma_start3A_304 = arith.constant 0 : i32
    %dma_start3A_305 = arith.constant 0 : i32
    %dma_start3A_306 = tpu.memref_slice %arg8[%dma_start3A_303, %dma_start3A_305] : memref<2x8192xi32, #tpu.memory_space<vmem>> -> memref<1x8192xi32, #tpu.memory_space<vmem>>
    %dma_start3A_307 = tpu.memref_squeeze %dma_start3A_306 : memref<1x8192xi32, #tpu.memory_space<vmem>> -> memref<8192xi32, #tpu.memory_space<vmem>>
    %dma_start3A_308 = tpu.memref_slice %arg5[%add3A_302] : memref<1048576xi32, #tpu.memory_space<hbm>> -> memref<8192xi32, #tpu.memory_space<hbm>>
    %dma_start3A_309 = tpu.memref_slice %arg11[%dma_start3A_304] : memref<2x!tpu.dma_semaphore, #tpu.memory_space<semaphore_mem>> -> memref<1x!tpu.dma_semaphore, #tpu.memory_space<semaphore_mem>>
    %dma_start3A_310 = tpu.memref_squeeze %dma_start3A_309 : memref<1x!tpu.dma_semaphore, #tpu.memory_space<semaphore_mem>> -> memref<!tpu.dma_semaphore, #tpu.memory_space<semaphore_mem>>
    %dma_start3A_311 = tpu.memref_slice %arg5[%add3A_302] : memref<1048576xi32, #tpu.memory_space<hbm>> -> memref<8192xi32, #tpu.memory_space<hbm>>
    %dma_start3A_312 = arith.constant 0 : i32
    %dma_start3A_313 = tpu.memref_slice %arg8[%dma_start3A_303, %dma_start3A_312] : memref<2x8192xi32, #tpu.memory_space<vmem>> -> memref<1x8192xi32, #tpu.memory_space<vmem>>
    %dma_start3A_314 = tpu.memref_squeeze %dma_start3A_313 : memref<1x8192xi32, #tpu.memory_space<vmem>> -> memref<8192xi32, #tpu.memory_space<vmem>>
    tpu.enqueue_dma source(%dma_start3A_314 : memref<8192xi32, #tpu.memory_space<vmem>>) target(%dma_start3A_311 : memref<8192xi32, #tpu.memory_space<hbm>>) target_semaphore(%dma_start3A_310 : memref<!tpu.dma_semaphore, #tpu.memory_space<semaphore_mem>>)
    %dma_wait3A_315 = arith.constant 1 : i32
    %dma_wait3A_316 = arith.constant 1 : i32
    %dma_wait3A_317 = arith.constant 1 : i32
    %dma_wait3A_318 = arith.constant 0 : i32
    %dma_wait3A_319 = tpu.memref_slice %arg7[%dma_wait3A_316, %dma_wait3A_318] : memref<2x8192xi32, #tpu.memory_space<vmem>> -> memref<1x8192xi32, #tpu.memory_space<vmem>>
    %dma_wait3A_320 = tpu.memref_squeeze %dma_wait3A_319 : memref<1x8192xi32, #tpu.memory_space<vmem>> -> memref<8192xi32, #tpu.memory_space<vmem>>
    %dma_wait3A_321 = tpu.memref_slice %arg2[%dma_wait3A_315, %add3A_224] : memref<2x1048576xi32, #tpu.memory_space<hbm>> -> memref<1x8192xi32, #tpu.memory_space<hbm>>
    %dma_wait3A_322 = tpu.memref_squeeze %dma_wait3A_321 : memref<1x8192xi32, #tpu.memory_space<hbm>> -> memref<8192xi32, #tpu.memory_space<hbm>>
    %dma_wait3A_323 = tpu.memref_slice %arg10[%dma_wait3A_317] : memref<2x!tpu.dma_semaphore, #tpu.memory_space<semaphore_mem>> -> memref<1x!tpu.dma_semaphore, #tpu.memory_space<semaphore_mem>>
    %dma_wait3A_324 = tpu.memref_squeeze %dma_wait3A_323 : memref<1x!tpu.dma_semaphore, #tpu.memory_space<semaphore_mem>> -> memref<!tpu.dma_semaphore, #tpu.memory_space<semaphore_mem>>
    %dma_wait3A_325 = arith.constant 0 : i32
    %dma_wait3A_326 = tpu.memref_slice %arg7[%dma_wait3A_316, %dma_wait3A_325] : memref<2x8192xi32, #tpu.memory_space<vmem>> -> memref<1x8192xi32, #tpu.memory_space<vmem>>
    %dma_wait3A_327 = tpu.memref_squeeze %dma_wait3A_326 : memref<1x8192xi32, #tpu.memory_space<vmem>> -> memref<8192xi32, #tpu.memory_space<vmem>>
    %dma_wait3A_328 = tpu.memref_slice %arg2[%dma_wait3A_315, %add3A_224] : memref<2x1048576xi32, #tpu.memory_space<hbm>> -> memref<1x8192xi32, #tpu.memory_space<hbm>>
    %dma_wait3A_329 = tpu.memref_squeeze %dma_wait3A_328 : memref<1x8192xi32, #tpu.memory_space<hbm>> -> memref<8192xi32, #tpu.memory_space<hbm>>
    tpu.wait_dma2 semaphore(%dma_wait3A_324 : memref<!tpu.dma_semaphore, #tpu.memory_space<semaphore_mem>>) src(%dma_wait3A_329 : memref<8192xi32, #tpu.memory_space<hbm>>) dst(%dma_wait3A_327 : memref<8192xi32, #tpu.memory_space<vmem>>)
    %dma_wait3A_330 = arith.constant 1 : i32
    %dma_wait3A_331 = arith.constant 1 : i32
    %dma_wait3A_332 = arith.constant 0 : i32
    %dma_wait3A_333 = tpu.memref_slice %arg8[%dma_wait3A_330, %dma_wait3A_332] : memref<2x8192xi32, #tpu.memory_space<vmem>> -> memref<1x8192xi32, #tpu.memory_space<vmem>>
    %dma_wait3A_334 = tpu.memref_squeeze %dma_wait3A_333 : memref<1x8192xi32, #tpu.memory_space<vmem>> -> memref<8192xi32, #tpu.memory_space<vmem>>
    %dma_wait3A_335 = tpu.memref_slice %arg4[%add3A_241] : memref<1048576xi32, #tpu.memory_space<hbm>> -> memref<8192xi32, #tpu.memory_space<hbm>>
    %dma_wait3A_336 = tpu.memref_slice %arg11[%dma_wait3A_331] : memref<2x!tpu.dma_semaphore, #tpu.memory_space<semaphore_mem>> -> memref<1x!tpu.dma_semaphore, #tpu.memory_space<semaphore_mem>>
    %dma_wait3A_337 = tpu.memref_squeeze %dma_wait3A_336 : memref<1x!tpu.dma_semaphore, #tpu.memory_space<semaphore_mem>> -> memref<!tpu.dma_semaphore, #tpu.memory_space<semaphore_mem>>
    %dma_wait3A_338 = tpu.memref_slice %arg4[%add3A_241] : memref<1048576xi32, #tpu.memory_space<hbm>> -> memref<8192xi32, #tpu.memory_space<hbm>>
    %dma_wait3A_339 = arith.constant 0 : i32
    %dma_wait3A_340 = tpu.memref_slice %arg8[%dma_wait3A_330, %dma_wait3A_339] : memref<2x8192xi32, #tpu.memory_space<vmem>> -> memref<1x8192xi32, #tpu.memory_space<vmem>>
    %dma_wait3A_341 = tpu.memref_squeeze %dma_wait3A_340 : memref<1x8192xi32, #tpu.memory_space<vmem>> -> memref<8192xi32, #tpu.memory_space<vmem>>
    tpu.wait_dma2 semaphore(%dma_wait3A_337 : memref<!tpu.dma_semaphore, #tpu.memory_space<semaphore_mem>>) src(%dma_wait3A_341 : memref<8192xi32, #tpu.memory_space<vmem>>) dst(%dma_wait3A_338 : memref<8192xi32, #tpu.memory_space<hbm>>)
    %parallel_loop3A_342 = arith.constant 0 : i32
    %parallel_loop3A_343 = arith.constant 8192 : i32
    %parallel_loop3A_344 = arith.constant 16 : i32
    scf.for %parallel_loop3A_488 = %parallel_loop3A_342 to %parallel_loop3A_343 step %parallel_loop3A_344  : i32 {
      %parallel_loop3A_489 = arith.constant 1 : i32
      %parallel_loop3A_490 = arith.index_cast %parallel_loop3A_489 : i32 to index
      %parallel_loop3A_491 = arith.index_cast %parallel_loop3A_488 : i32 to index
      %parallel_loop3A_492 = tpu.vector_load %arg7[%parallel_loop3A_490, %parallel_loop3A_491] {strides = array<i32>} : memref<2x8192xi32, #tpu.memory_space<vmem>>, vector<16xi32>,
      %parallel_loop3A_493 = tpu.vector_load_idx %arg6[%parallel_loop3A_492] : memref<65536xi32, #tpu.memory_space<vmem>>[vector<16xi32>], vector<16xi32>,
      %parallel_loop3A_494 = arith.constant 1 : i32
      %parallel_loop3A_495 = arith.index_cast %parallel_loop3A_494 : i32 to index
      %parallel_loop3A_496 = arith.index_cast %parallel_loop3A_488 : i32 to index
      %parallel_loop3A_497 = tpu.vector_load %arg8[%parallel_loop3A_495, %parallel_loop3A_496] {strides = array<i32>} : memref<2x8192xi32, #tpu.memory_space<vmem>>, vector<16xi32>,
      tpu.vector_store %arg8[%parallel_loop3A_495, %parallel_loop3A_496], %parallel_loop3A_493 {strides = array<i32>} : memref<2x8192xi32, #tpu.memory_space<vmem>>, vector<16xi32>,
    } {sc.loop_unroll_factor = 8 : i64, sc.parallel_access}
    %add3A_345 = arith.constant 24576 : i32
    %add3A_346 = arith.addi %mul3A_2, %add3A_345 : i32
    %dma_start3A_347 = arith.constant 1 : i32
    %dma_start3A_348 = arith.constant 1 : i32
    %dma_start3A_349 = arith.constant 1 : i32
    %dma_start3A_350 = arith.constant 0 : i32
    %dma_start3A_351 = tpu.memref_slice %arg7[%dma_start3A_348, %dma_start3A_350] : memref<2x8192xi32, #tpu.memory_space<vmem>> -> memref<1x8192xi32, #tpu.memory_space<vmem>>
    %dma_start3A_352 = tpu.memref_squeeze %dma_start3A_351 : memref<1x8192xi32, #tpu.memory_space<vmem>> -> memref<8192xi32, #tpu.memory_space<vmem>>
    %dma_start3A_353 = tpu.memref_slice %arg2[%dma_start3A_347, %add3A_346] : memref<2x1048576xi32, #tpu.memory_space<hbm>> -> memref<1x8192xi32, #tpu.memory_space<hbm>>
    %dma_start3A_354 = tpu.memref_squeeze %dma_start3A_353 : memref<1x8192xi32, #tpu.memory_space<hbm>> -> memref<8192xi32, #tpu.memory_space<hbm>>
    %dma_start3A_355 = tpu.memref_slice %arg10[%dma_start3A_349] : memref<2x!tpu.dma_semaphore, #tpu.memory_space<semaphore_mem>> -> memref<1x!tpu.dma_semaphore, #tpu.memory_space<semaphore_mem>>
    %dma_start3A_356 = tpu.memref_squeeze %dma_start3A_355 : memref<1x!tpu.dma_semaphore, #tpu.memory_space<semaphore_mem>> -> memref<!tpu.dma_semaphore, #tpu.memory_space<semaphore_mem>>
    %dma_start3A_357 = arith.constant 0 : i32
    %dma_start3A_358 = tpu.memref_slice %arg7[%dma_start3A_348, %dma_start3A_357] : memref<2x8192xi32, #tpu.memory_space<vmem>> -> memref<1x8192xi32, #tpu.memory_space<vmem>>
    %dma_start3A_359 = tpu.memref_squeeze %dma_start3A_358 : memref<1x8192xi32, #tpu.memory_space<vmem>> -> memref<8192xi32, #tpu.memory_space<vmem>>
    %dma_start3A_360 = tpu.memref_slice %arg2[%dma_start3A_347, %add3A_346] : memref<2x1048576xi32, #tpu.memory_space<hbm>> -> memref<1x8192xi32, #tpu.memory_space<hbm>>
    %dma_start3A_361 = tpu.memref_squeeze %dma_start3A_360 : memref<1x8192xi32, #tpu.memory_space<hbm>> -> memref<8192xi32, #tpu.memory_space<hbm>>
    tpu.enqueue_dma source(%dma_start3A_361 : memref<8192xi32, #tpu.memory_space<hbm>>) target(%dma_start3A_359 : memref<8192xi32, #tpu.memory_space<vmem>>) target_semaphore(%dma_start3A_356 : memref<!tpu.dma_semaphore, #tpu.memory_space<semaphore_mem>>)
    %add3A_362 = arith.constant 8192 : i32
    %add3A_363 = arith.addi %mul3A_2, %add3A_362 : i32
    %dma_start3A_364 = arith.constant 1 : i32
    %dma_start3A_365 = arith.constant 1 : i32
    %dma_start3A_366 = arith.constant 0 : i32
    %dma_start3A_367 = tpu.memref_slice %arg8[%dma_start3A_364, %dma_start3A_366] : memref<2x8192xi32, #tpu.memory_space<vmem>> -> memref<1x8192xi32, #tpu.memory_space<vmem>>
    %dma_start3A_368 = tpu.memref_squeeze %dma_start3A_367 : memref<1x8192xi32, #tpu.memory_space<vmem>> -> memref<8192xi32, #tpu.memory_space<vmem>>
    %dma_start3A_369 = tpu.memref_slice %arg5[%add3A_363] : memref<1048576xi32, #tpu.memory_space<hbm>> -> memref<8192xi32, #tpu.memory_space<hbm>>
    %dma_start3A_370 = tpu.memref_slice %arg11[%dma_start3A_365] : memref<2x!tpu.dma_semaphore, #tpu.memory_space<semaphore_mem>> -> memref<1x!tpu.dma_semaphore, #tpu.memory_space<semaphore_mem>>
    %dma_start3A_371 = tpu.memref_squeeze %dma_start3A_370 : memref<1x!tpu.dma_semaphore, #tpu.memory_space<semaphore_mem>> -> memref<!tpu.dma_semaphore, #tpu.memory_space<semaphore_mem>>
    %dma_start3A_372 = tpu.memref_slice %arg5[%add3A_363] : memref<1048576xi32, #tpu.memory_space<hbm>> -> memref<8192xi32, #tpu.memory_space<hbm>>
    %dma_start3A_373 = arith.constant 0 : i32
    %dma_start3A_374 = tpu.memref_slice %arg8[%dma_start3A_364, %dma_start3A_373] : memref<2x8192xi32, #tpu.memory_space<vmem>> -> memref<1x8192xi32, #tpu.memory_space<vmem>>
    %dma_start3A_375 = tpu.memref_squeeze %dma_start3A_374 : memref<1x8192xi32, #tpu.memory_space<vmem>> -> memref<8192xi32, #tpu.memory_space<vmem>>
    tpu.enqueue_dma source(%dma_start3A_375 : memref<8192xi32, #tpu.memory_space<vmem>>) target(%dma_start3A_372 : memref<8192xi32, #tpu.memory_space<hbm>>) target_semaphore(%dma_start3A_371 : memref<!tpu.dma_semaphore, #tpu.memory_space<semaphore_mem>>)
    %dma_wait3A_376 = arith.constant 1 : i32
    %dma_wait3A_377 = arith.constant 0 : i32
    %dma_wait3A_378 = arith.constant 0 : i32
    %dma_wait3A_379 = arith.constant 0 : i32
    %dma_wait3A_380 = tpu.memref_slice %arg7[%dma_wait3A_377, %dma_wait3A_379] : memref<2x8192xi32, #tpu.memory_space<vmem>> -> memref<1x8192xi32, #tpu.memory_space<vmem>>
    %dma_wait3A_381 = tpu.memref_squeeze %dma_wait3A_380 : memref<1x8192xi32, #tpu.memory_space<vmem>> -> memref<8192xi32, #tpu.memory_space<vmem>>
    %dma_wait3A_382 = tpu.memref_slice %arg2[%dma_wait3A_376, %add3A_285] : memref<2x1048576xi32, #tpu.memory_space<hbm>> -> memref<1x8192xi32, #tpu.memory_space<hbm>>
    %dma_wait3A_383 = tpu.memref_squeeze %dma_wait3A_382 : memref<1x8192xi32, #tpu.memory_space<hbm>> -> memref<8192xi32, #tpu.memory_space<hbm>>
    %dma_wait3A_384 = tpu.memref_slice %arg10[%dma_wait3A_378] : memref<2x!tpu.dma_semaphore, #tpu.memory_space<semaphore_mem>> -> memref<1x!tpu.dma_semaphore, #tpu.memory_space<semaphore_mem>>
    %dma_wait3A_385 = tpu.memref_squeeze %dma_wait3A_384 : memref<1x!tpu.dma_semaphore, #tpu.memory_space<semaphore_mem>> -> memref<!tpu.dma_semaphore, #tpu.memory_space<semaphore_mem>>
    %dma_wait3A_386 = arith.constant 0 : i32
    %dma_wait3A_387 = tpu.memref_slice %arg7[%dma_wait3A_377, %dma_wait3A_386] : memref<2x8192xi32, #tpu.memory_space<vmem>> -> memref<1x8192xi32, #tpu.memory_space<vmem>>
    %dma_wait3A_388 = tpu.memref_squeeze %dma_wait3A_387 : memref<1x8192xi32, #tpu.memory_space<vmem>> -> memref<8192xi32, #tpu.memory_space<vmem>>
    %dma_wait3A_389 = tpu.memref_slice %arg2[%dma_wait3A_376, %add3A_285] : memref<2x1048576xi32, #tpu.memory_space<hbm>> -> memref<1x8192xi32, #tpu.memory_space<hbm>>
    %dma_wait3A_390 = tpu.memref_squeeze %dma_wait3A_389 : memref<1x8192xi32, #tpu.memory_space<hbm>> -> memref<8192xi32, #tpu.memory_space<hbm>>
    tpu.wait_dma2 semaphore(%dma_wait3A_385 : memref<!tpu.dma_semaphore, #tpu.memory_space<semaphore_mem>>) src(%dma_wait3A_390 : memref<8192xi32, #tpu.memory_space<hbm>>) dst(%dma_wait3A_388 : memref<8192xi32, #tpu.memory_space<vmem>>)
    %dma_wait3A_391 = arith.constant 0 : i32
    %dma_wait3A_392 = arith.constant 0 : i32
    %dma_wait3A_393 = arith.constant 0 : i32
    %dma_wait3A_394 = tpu.memref_slice %arg8[%dma_wait3A_391, %dma_wait3A_393] : memref<2x8192xi32, #tpu.memory_space<vmem>> -> memref<1x8192xi32, #tpu.memory_space<vmem>>
    %dma_wait3A_395 = tpu.memref_squeeze %dma_wait3A_394 : memref<1x8192xi32, #tpu.memory_space<vmem>> -> memref<8192xi32, #tpu.memory_space<vmem>>
    %dma_wait3A_396 = tpu.memref_slice %arg5[%add3A_302] : memref<1048576xi32, #tpu.memory_space<hbm>> -> memref<8192xi32, #tpu.memory_space<hbm>>
    %dma_wait3A_397 = tpu.memref_slice %arg11[%dma_wait3A_392] : memref<2x!tpu.dma_semaphore, #tpu.memory_space<semaphore_mem>> -> memref<1x!tpu.dma_semaphore, #tpu.memory_space<semaphore_mem>>
    %dma_wait3A_398 = tpu.memref_squeeze %dma_wait3A_397 : memref<1x!tpu.dma_semaphore, #tpu.memory_space<semaphore_mem>> -> memref<!tpu.dma_semaphore, #tpu.memory_space<semaphore_mem>>
    %dma_wait3A_399 = tpu.memref_slice %arg5[%add3A_302] : memref<1048576xi32, #tpu.memory_space<hbm>> -> memref<8192xi32, #tpu.memory_space<hbm>>
    %dma_wait3A_400 = arith.constant 0 : i32
    %dma_wait3A_401 = tpu.memref_slice %arg8[%dma_wait3A_391, %dma_wait3A_400] : memref<2x8192xi32, #tpu.memory_space<vmem>> -> memref<1x8192xi32, #tpu.memory_space<vmem>>
    %dma_wait3A_402 = tpu.memref_squeeze %dma_wait3A_401 : memref<1x8192xi32, #tpu.memory_space<vmem>> -> memref<8192xi32, #tpu.memory_space<vmem>>
    tpu.wait_dma2 semaphore(%dma_wait3A_398 : memref<!tpu.dma_semaphore, #tpu.memory_space<semaphore_mem>>) src(%dma_wait3A_402 : memref<8192xi32, #tpu.memory_space<vmem>>) dst(%dma_wait3A_399 : memref<8192xi32, #tpu.memory_space<hbm>>)
    %parallel_loop3A_403 = arith.constant 0 : i32
    %parallel_loop3A_404 = arith.constant 8192 : i32
    %parallel_loop3A_405 = arith.constant 16 : i32
    scf.for %parallel_loop3A_488 = %parallel_loop3A_403 to %parallel_loop3A_404 step %parallel_loop3A_405  : i32 {
      %parallel_loop3A_489 = arith.constant 0 : i32
      %parallel_loop3A_490 = arith.index_cast %parallel_loop3A_489 : i32 to index
      %parallel_loop3A_491 = arith.index_cast %parallel_loop3A_488 : i32 to index
      %parallel_loop3A_492 = tpu.vector_load %arg7[%parallel_loop3A_490, %parallel_loop3A_491] {strides = array<i32>} : memref<2x8192xi32, #tpu.memory_space<vmem>>, vector<16xi32>,
      %parallel_loop3A_493 = tpu.vector_load_idx %arg6[%parallel_loop3A_492] : memref<65536xi32, #tpu.memory_space<vmem>>[vector<16xi32>], vector<16xi32>,
      %parallel_loop3A_494 = arith.constant 0 : i32
      %parallel_loop3A_495 = arith.index_cast %parallel_loop3A_494 : i32 to index
      %parallel_loop3A_496 = arith.index_cast %parallel_loop3A_488 : i32 to index
      %parallel_loop3A_497 = tpu.vector_load %arg8[%parallel_loop3A_495, %parallel_loop3A_496] {strides = array<i32>} : memref<2x8192xi32, #tpu.memory_space<vmem>>, vector<16xi32>,
      tpu.vector_store %arg8[%parallel_loop3A_495, %parallel_loop3A_496], %parallel_loop3A_493 {strides = array<i32>} : memref<2x8192xi32, #tpu.memory_space<vmem>>, vector<16xi32>,
    } {sc.loop_unroll_factor = 8 : i64, sc.parallel_access}
    %add3A_406 = arith.constant 16384 : i32
    %add3A_407 = arith.addi %mul3A_2, %add3A_406 : i32
    %dma_start3A_408 = arith.constant 0 : i32
    %dma_start3A_409 = arith.constant 0 : i32
    %dma_start3A_410 = arith.constant 0 : i32
    %dma_start3A_411 = tpu.memref_slice %arg8[%dma_start3A_408, %dma_start3A_410] : memref<2x8192xi32, #tpu.memory_space<vmem>> -> memref<1x8192xi32, #tpu.memory_space<vmem>>
    %dma_start3A_412 = tpu.memref_squeeze %dma_start3A_411 : memref<1x8192xi32, #tpu.memory_space<vmem>> -> memref<8192xi32, #tpu.memory_space<vmem>>
    %dma_start3A_413 = tpu.memref_slice %arg5[%add3A_407] : memref<1048576xi32, #tpu.memory_space<hbm>> -> memref<8192xi32, #tpu.memory_space<hbm>>
    %dma_start3A_414 = tpu.memref_slice %arg11[%dma_start3A_409] : memref<2x!tpu.dma_semaphore, #tpu.memory_space<semaphore_mem>> -> memref<1x!tpu.dma_semaphore, #tpu.memory_space<semaphore_mem>>
    %dma_start3A_415 = tpu.memref_squeeze %dma_start3A_414 : memref<1x!tpu.dma_semaphore, #tpu.memory_space<semaphore_mem>> -> memref<!tpu.dma_semaphore, #tpu.memory_space<semaphore_mem>>
    %dma_start3A_416 = tpu.memref_slice %arg5[%add3A_407] : memref<1048576xi32, #tpu.memory_space<hbm>> -> memref<8192xi32, #tpu.memory_space<hbm>>
    %dma_start3A_417 = arith.constant 0 : i32
    %dma_start3A_418 = tpu.memref_slice %arg8[%dma_start3A_408, %dma_start3A_417] : memref<2x8192xi32, #tpu.memory_space<vmem>> -> memref<1x8192xi32, #tpu.memory_space<vmem>>
    %dma_start3A_419 = tpu.memref_squeeze %dma_start3A_418 : memref<1x8192xi32, #tpu.memory_space<vmem>> -> memref<8192xi32, #tpu.memory_space<vmem>>
    tpu.enqueue_dma source(%dma_start3A_419 : memref<8192xi32, #tpu.memory_space<vmem>>) target(%dma_start3A_416 : memref<8192xi32, #tpu.memory_space<hbm>>) target_semaphore(%dma_start3A_415 : memref<!tpu.dma_semaphore, #tpu.memory_space<semaphore_mem>>)
    %dma_wait3A_420 = arith.constant 1 : i32
    %dma_wait3A_421 = arith.constant 1 : i32
    %dma_wait3A_422 = arith.constant 1 : i32
    %dma_wait3A_423 = arith.constant 0 : i32
    %dma_wait3A_424 = tpu.memref_slice %arg7[%dma_wait3A_421, %dma_wait3A_423] : memref<2x8192xi32, #tpu.memory_space<vmem>> -> memref<1x8192xi32, #tpu.memory_space<vmem>>
    %dma_wait3A_425 = tpu.memref_squeeze %dma_wait3A_424 : memref<1x8192xi32, #tpu.memory_space<vmem>> -> memref<8192xi32, #tpu.memory_space<vmem>>
    %dma_wait3A_426 = tpu.memref_slice %arg2[%dma_wait3A_420, %add3A_346] : memref<2x1048576xi32, #tpu.memory_space<hbm>> -> memref<1x8192xi32, #tpu.memory_space<hbm>>
    %dma_wait3A_427 = tpu.memref_squeeze %dma_wait3A_426 : memref<1x8192xi32, #tpu.memory_space<hbm>> -> memref<8192xi32, #tpu.memory_space<hbm>>
    %dma_wait3A_428 = tpu.memref_slice %arg10[%dma_wait3A_422] : memref<2x!tpu.dma_semaphore, #tpu.memory_space<semaphore_mem>> -> memref<1x!tpu.dma_semaphore, #tpu.memory_space<semaphore_mem>>
    %dma_wait3A_429 = tpu.memref_squeeze %dma_wait3A_428 : memref<1x!tpu.dma_semaphore, #tpu.memory_space<semaphore_mem>> -> memref<!tpu.dma_semaphore, #tpu.memory_space<semaphore_mem>>
    %dma_wait3A_430 = arith.constant 0 : i32
    %dma_wait3A_431 = tpu.memref_slice %arg7[%dma_wait3A_421, %dma_wait3A_430] : memref<2x8192xi32, #tpu.memory_space<vmem>> -> memref<1x8192xi32, #tpu.memory_space<vmem>>
    %dma_wait3A_432 = tpu.memref_squeeze %dma_wait3A_431 : memref<1x8192xi32, #tpu.memory_space<vmem>> -> memref<8192xi32, #tpu.memory_space<vmem>>
    %dma_wait3A_433 = tpu.memref_slice %arg2[%dma_wait3A_420, %add3A_346] : memref<2x1048576xi32, #tpu.memory_space<hbm>> -> memref<1x8192xi32, #tpu.memory_space<hbm>>
    %dma_wait3A_434 = tpu.memref_squeeze %dma_wait3A_433 : memref<1x8192xi32, #tpu.memory_space<hbm>> -> memref<8192xi32, #tpu.memory_space<hbm>>
    tpu.wait_dma2 semaphore(%dma_wait3A_429 : memref<!tpu.dma_semaphore, #tpu.memory_space<semaphore_mem>>) src(%dma_wait3A_434 : memref<8192xi32, #tpu.memory_space<hbm>>) dst(%dma_wait3A_432 : memref<8192xi32, #tpu.memory_space<vmem>>)
    %dma_wait3A_435 = arith.constant 1 : i32
    %dma_wait3A_436 = arith.constant 1 : i32
    %dma_wait3A_437 = arith.constant 0 : i32
    %dma_wait3A_438 = tpu.memref_slice %arg8[%dma_wait3A_435, %dma_wait3A_437] : memref<2x8192xi32, #tpu.memory_space<vmem>> -> memref<1x8192xi32, #tpu.memory_space<vmem>>
    %dma_wait3A_439 = tpu.memref_squeeze %dma_wait3A_438 : memref<1x8192xi32, #tpu.memory_space<vmem>> -> memref<8192xi32, #tpu.memory_space<vmem>>
    %dma_wait3A_440 = tpu.memref_slice %arg5[%add3A_363] : memref<1048576xi32, #tpu.memory_space<hbm>> -> memref<8192xi32, #tpu.memory_space<hbm>>
    %dma_wait3A_441 = tpu.memref_slice %arg11[%dma_wait3A_436] : memref<2x!tpu.dma_semaphore, #tpu.memory_space<semaphore_mem>> -> memref<1x!tpu.dma_semaphore, #tpu.memory_space<semaphore_mem>>
    %dma_wait3A_442 = tpu.memref_squeeze %dma_wait3A_441 : memref<1x!tpu.dma_semaphore, #tpu.memory_space<semaphore_mem>> -> memref<!tpu.dma_semaphore, #tpu.memory_space<semaphore_mem>>
    %dma_wait3A_443 = tpu.memref_slice %arg5[%add3A_363] : memref<1048576xi32, #tpu.memory_space<hbm>> -> memref<8192xi32, #tpu.memory_space<hbm>>
    %dma_wait3A_444 = arith.constant 0 : i32
    %dma_wait3A_445 = tpu.memref_slice %arg8[%dma_wait3A_435, %dma_wait3A_444] : memref<2x8192xi32, #tpu.memory_space<vmem>> -> memref<1x8192xi32, #tpu.memory_space<vmem>>
    %dma_wait3A_446 = tpu.memref_squeeze %dma_wait3A_445 : memref<1x8192xi32, #tpu.memory_space<vmem>> -> memref<8192xi32, #tpu.memory_space<vmem>>
    tpu.wait_dma2 semaphore(%dma_wait3A_442 : memref<!tpu.dma_semaphore, #tpu.memory_space<semaphore_mem>>) src(%dma_wait3A_446 : memref<8192xi32, #tpu.memory_space<vmem>>) dst(%dma_wait3A_443 : memref<8192xi32, #tpu.memory_space<hbm>>)
    %parallel_loop3A_447 = arith.constant 0 : i32
    %parallel_loop3A_448 = arith.constant 8192 : i32
    %parallel_loop3A_449 = arith.constant 16 : i32
    scf.for %parallel_loop3A_488 = %parallel_loop3A_447 to %parallel_loop3A_448 step %parallel_loop3A_449  : i32 {
      %parallel_loop3A_489 = arith.constant 1 : i32
      %parallel_loop3A_490 = arith.index_cast %parallel_loop3A_489 : i32 to index
      %parallel_loop3A_491 = arith.index_cast %parallel_loop3A_488 : i32 to index
      %parallel_loop3A_492 = tpu.vector_load %arg7[%parallel_loop3A_490, %parallel_loop3A_491] {strides = array<i32>} : memref<2x8192xi32, #tpu.memory_space<vmem>>, vector<16xi32>,
      %parallel_loop3A_493 = tpu.vector_load_idx %arg6[%parallel_loop3A_492] : memref<65536xi32, #tpu.memory_space<vmem>>[vector<16xi32>], vector<16xi32>,
      %parallel_loop3A_494 = arith.constant 1 : i32
      %parallel_loop3A_495 = arith.index_cast %parallel_loop3A_494 : i32 to index
      %parallel_loop3A_496 = arith.index_cast %parallel_loop3A_488 : i32 to index
      %parallel_loop3A_497 = tpu.vector_load %arg8[%parallel_loop3A_495, %parallel_loop3A_496] {strides = array<i32>} : memref<2x8192xi32, #tpu.memory_space<vmem>>, vector<16xi32>,
      tpu.vector_store %arg8[%parallel_loop3A_495, %parallel_loop3A_496], %parallel_loop3A_493 {strides = array<i32>} : memref<2x8192xi32, #tpu.memory_space<vmem>>, vector<16xi32>,
    } {sc.loop_unroll_factor = 8 : i64, sc.parallel_access}
    %add3A_450 = arith.constant 24576 : i32
    %add3A_451 = arith.addi %mul3A_2, %add3A_450 : i32
    %dma_start3A_452 = arith.constant 1 : i32
    %dma_start3A_453 = arith.constant 1 : i32
    %dma_start3A_454 = arith.constant 0 : i32
    %dma_start3A_455 = tpu.memref_slice %arg8[%dma_start3A_452, %dma_start3A_454] : memref<2x8192xi32, #tpu.memory_space<vmem>> -> memref<1x8192xi32, #tpu.memory_space<vmem>>
    %dma_start3A_456 = tpu.memref_squeeze %dma_start3A_455 : memref<1x8192xi32, #tpu.memory_space<vmem>> -> memref<8192xi32, #tpu.memory_space<vmem>>
    %dma_start3A_457 = tpu.memref_slice %arg5[%add3A_451] : memref<1048576xi32, #tpu.memory_space<hbm>> -> memref<8192xi32, #tpu.memory_space<hbm>>
    %dma_start3A_458 = tpu.memref_slice %arg11[%dma_start3A_453] : memref<2x!tpu.dma_semaphore, #tpu.memory_space<semaphore_mem>> -> memref<1x!tpu.dma_semaphore, #tpu.memory_space<semaphore_mem>>
    %dma_start3A_459 = tpu.memref_squeeze %dma_start3A_458 : memref<1x!tpu.dma_semaphore, #tpu.memory_space<semaphore_mem>> -> memref<!tpu.dma_semaphore, #tpu.memory_space<semaphore_mem>>
    %dma_start3A_460 = tpu.memref_slice %arg5[%add3A_451] : memref<1048576xi32, #tpu.memory_space<hbm>> -> memref<8192xi32, #tpu.memory_space<hbm>>
    %dma_start3A_461 = arith.constant 0 : i32
    %dma_start3A_462 = tpu.memref_slice %arg8[%dma_start3A_452, %dma_start3A_461] : memref<2x8192xi32, #tpu.memory_space<vmem>> -> memref<1x8192xi32, #tpu.memory_space<vmem>>
    %dma_start3A_463 = tpu.memref_squeeze %dma_start3A_462 : memref<1x8192xi32, #tpu.memory_space<vmem>> -> memref<8192xi32, #tpu.memory_space<vmem>>
    tpu.enqueue_dma source(%dma_start3A_463 : memref<8192xi32, #tpu.memory_space<vmem>>) target(%dma_start3A_460 : memref<8192xi32, #tpu.memory_space<hbm>>) target_semaphore(%dma_start3A_459 : memref<!tpu.dma_semaphore, #tpu.memory_space<semaphore_mem>>)
    %dma_wait3A_464 = arith.constant 0 : i32
    %dma_wait3A_465 = arith.constant 0 : i32
    %dma_wait3A_466 = arith.constant 0 : i32
    %dma_wait3A_467 = tpu.memref_slice %arg8[%dma_wait3A_464, %dma_wait3A_466] : memref<2x8192xi32, #tpu.memory_space<vmem>> -> memref<1x8192xi32, #tpu.memory_space<vmem>>
    %dma_wait3A_468 = tpu.memref_squeeze %dma_wait3A_467 : memref<1x8192xi32, #tpu.memory_space<vmem>> -> memref<8192xi32, #tpu.memory_space<vmem>>
    %dma_wait3A_469 = tpu.memref_slice %arg5[%add3A_407] : memref<1048576xi32, #tpu.memory_space<hbm>> -> memref<8192xi32, #tpu.memory_space<hbm>>
    %dma_wait3A_470 = tpu.memref_slice %arg11[%dma_wait3A_465] : memref<2x!tpu.dma_semaphore, #tpu.memory_space<semaphore_mem>> -> memref<1x!tpu.dma_semaphore, #tpu.memory_space<semaphore_mem>>
    %dma_wait3A_471 = tpu.memref_squeeze %dma_wait3A_470 : memref<1x!tpu.dma_semaphore, #tpu.memory_space<semaphore_mem>> -> memref<!tpu.dma_semaphore, #tpu.memory_space<semaphore_mem>>
    %dma_wait3A_472 = tpu.memref_slice %arg5[%add3A_407] : memref<1048576xi32, #tpu.memory_space<hbm>> -> memref<8192xi32, #tpu.memory_space<hbm>>
    %dma_wait3A_473 = arith.constant 0 : i32
    %dma_wait3A_474 = tpu.memref_slice %arg8[%dma_wait3A_464, %dma_wait3A_473] : memref<2x8192xi32, #tpu.memory_space<vmem>> -> memref<1x8192xi32, #tpu.memory_space<vmem>>
    %dma_wait3A_475 = tpu.memref_squeeze %dma_wait3A_474 : memref<1x8192xi32, #tpu.memory_space<vmem>> -> memref<8192xi32, #tpu.memory_space<vmem>>
    tpu.wait_dma2 semaphore(%dma_wait3A_471 : memref<!tpu.dma_semaphore, #tpu.memory_space<semaphore_mem>>) src(%dma_wait3A_475 : memref<8192xi32, #tpu.memory_space<vmem>>) dst(%dma_wait3A_472 : memref<8192xi32, #tpu.memory_space<hbm>>)
    %dma_wait3A_476 = arith.constant 1 : i32
    %dma_wait3A_477 = arith.constant 1 : i32
    %dma_wait3A_478 = arith.constant 0 : i32
    %dma_wait3A_479 = tpu.memref_slice %arg8[%dma_wait3A_476, %dma_wait3A_478] : memref<2x8192xi32, #tpu.memory_space<vmem>> -> memref<1x8192xi32, #tpu.memory_space<vmem>>
    %dma_wait3A_480 = tpu.memref_squeeze %dma_wait3A_479 : memref<1x8192xi32, #tpu.memory_space<vmem>> -> memref<8192xi32, #tpu.memory_space<vmem>>
    %dma_wait3A_481 = tpu.memref_slice %arg5[%add3A_451] : memref<1048576xi32, #tpu.memory_space<hbm>> -> memref<8192xi32, #tpu.memory_space<hbm>>
    %dma_wait3A_482 = tpu.memref_slice %arg11[%dma_wait3A_477] : memref<2x!tpu.dma_semaphore, #tpu.memory_space<semaphore_mem>> -> memref<1x!tpu.dma_semaphore, #tpu.memory_space<semaphore_mem>>
    %dma_wait3A_483 = tpu.memref_squeeze %dma_wait3A_482 : memref<1x!tpu.dma_semaphore, #tpu.memory_space<semaphore_mem>> -> memref<!tpu.dma_semaphore, #tpu.memory_space<semaphore_mem>>
    %dma_wait3A_484 = tpu.memref_slice %arg5[%add3A_451] : memref<1048576xi32, #tpu.memory_space<hbm>> -> memref<8192xi32, #tpu.memory_space<hbm>>
    %dma_wait3A_485 = arith.constant 0 : i32
    %dma_wait3A_486 = tpu.memref_slice %arg8[%dma_wait3A_476, %dma_wait3A_485] : memref<2x8192xi32, #tpu.memory_space<vmem>> -> memref<1x8192xi32, #tpu.memory_space<vmem>>
    %dma_wait3A_487 = tpu.memref_squeeze %dma_wait3A_486 : memref<1x8192xi32, #tpu.memory_space<vmem>> -> memref<8192xi32, #tpu.memory_space<vmem>>
    tpu.wait_dma2 semaphore(%dma_wait3A_483 : memref<!tpu.dma_semaphore, #tpu.memory_space<semaphore_mem>>) src(%dma_wait3A_487 : memref<8192xi32, #tpu.memory_space<vmem>>) dst(%dma_wait3A_484 : memref<8192xi32, #tpu.memory_space<hbm>>)
    return
  }
}

</mosaic_0001>

<sc_bundles>
// kernel: _sc_call.3.cloned.1.call-start
scs
__scs_entry_jumppad:
0x0: {  	(pc) =	sbr.rel $0x88, $3  }
0x1: {  	(tag) =	ssettag $0x0;
	lr =	simm.s32 $0x1  }
0x2: {  	[smem:$0x3F9F] =	sst lr;
	_ =	strace $0xD0000000  }
0x3: {  	_ = 	snop  }
0x4: {  	_ = 	snop  }
0x5: {  	_ = 	snop  }
0x6: {  	_ = 	snop  }
0x7: {  	_ = 	snop  }
__scs_overlays_trampoline_lowered:
0x8: {  	[smem:$0x3FAE] =	sst s0  }
0x9: {  	[smem:$0x3FAF] =	sst s1  }
0xa: {  	[smem:$0x3FB0] =	sst s2  }
0xb: {  	[smem:$0x3FB1] =	sst s3  }
0xc: {  	[smem:$0x3FB2] =	sst s4  }
0xd: {  	[smem:$0x3FB3] =	sst s5  }
0xe: {  	[smem:$0x3FB4] =	sst s6  }
0xf: {  	[smem:$0x3FB5] =	sst s7  }
0x10: {  	[smem:$0x3FB6] =	sst s8  }
0x11: {  	[smem:$0x3FB7] =	sst s9;
	s0 =	simm.s32 @!p0 $0x0  }
0x12: {  	s1 =	sld [smem:$0x3F9D];
	s0 =	simm.s32 @p0 $0x1  }
0x13: {  	[smem:$0x3FB8] =	sst s0;
	s0 =	simm.s32 @!p1 $0x0  }
0x14: {  	s2 =	sld [smem:$0x3F9C];
	s0 =	simm.s32 @p1 $0x1  }
0x15: {  	[smem:$0x3FB9] =	sst s0;
	s0 =	simm.s32 @!p2 $0x0  }
0x16: {  	s3 =	sld [smem:$0x3FDB];
	s0 =	simm.s32 @p2 $0x1  }
0x17: {  	s4 =	simm.s32 $0x1BF5;
	[smem:$0x3FBB] =	sst s0  }
0x18: {  	s0 =	sld [smem:$0x3F9E];
	_ =	swait.ge [sflag:s4], $0x0  }
0x19: {  	s7 =	sld [smem:$0x3F9F]  }
0x1a: {  	s8 =	sadd.s32 $0xFFFFE003, lr  }
0x1b: {  	s9 =	sadd.s32 $0xFFFFFEF7, lr;
	s5 =	simm.s32 $0xFFFFFFFF;
	p2 =	slt.u32 s8, $0xFFFFF086  }
0x1c: {  	p1 =	slt.u32 s9, $0xF7A;
	s5 =	simm.s32 @!p2 $0x0  }
0x1d: {  	s5 =	simm.s32 @p1 $0x1;
	p0 =	seq.s32 s7, s2  }
0x1e: {  	s7 =	smul.u32 @!p0 $0xF7A, s2;
	p2 =	seq.s32 @!p0 s5, $0x0  }
0x1f: {  	s9 =	smul.u32 $0xF7A, s1;
	s8 =	simm.s32 @!p0 $0x1BF5;
	p2 =	por !p2, p0  }
0x20: {  	[sflag:s8] =	ssyncset.s32 @!p0 $0xFFFFF086;
	s6 =	sadd.s32 @!p0 s3, s7;
	s7 =	simm.s32 @!p0 $0x108  }
0x21: {  	s3 =	sadd.s32 s3, s9;
	s6 =	sadd.s32 @!p0 $0x88, s6;
	s7 =	simm.s32 @p2 $0x1082  }
0x22: {  	[simem:s7], [sflag:s8] =	dma.local @!p0 [hbm:s6], $0xF7A  }
0x23: {  	s9 =	sor.u32 $0xD0000000, s2;
	s6 =	simm.s32 $0x108;
	_ =	swait.ge @!p0 [sflag:s8], $0x0  }
0x24: {  	s3 =	sadd.s32 $0x88, s3;
	s6 =	simm.s32 @!p1 $0x1082;
	[sflag:s4] =	ssyncset.s32 $0xFFFFF086  }
0x25: {  	[simem:s6], [sflag:s4] =	dma.local [hbm:s3], $0xF7A  }
0x26: {  	[smem:$0x3F9F] =	sst s1;
	(tag) =	ssettag s2;
	_ =	strace s9  }
0x27: {  	s1 =	sld [smem:$0x3FAF]  }
0x28: {  	s2 =	sld [smem:$0x3FB0]  }
0x29: {  	s4 =	sld [smem:$0x3FB2]  }
0x2a: {  	p0 =	seq.s32 s5, $0x0;
	s5 =	sld [smem:$0x3FB3]  }
0x2b: {  	s6 =	sld [smem:$0x3FB4]  }
0x2c: {  	s7 =	sld [smem:$0x3FB5]  }
0x2d: {  	s3 =	simm.s32 $0x108;
	s8 =	sld [smem:$0x3FB6]  }
0x2e: {  	s3 =	simm.s32 @!p0 $0x1082;
	s9 =	sld [smem:$0x3FB7]  }
0x2f: {  	lr =	sadd.s32 s0, s3;
	s0 =	sld [smem:$0x3FAE]  }
0x30: {  	s3 =	sld [smem:$0x3FB1]  }
0x31: {  	[smem:$0x3FBA] =	sst s10  }
0x32: {  	s10 =	sld [smem:$0x3FB8];
	_ =	sdelay $0x3  }
0x33: {  	p0 =	seq.s32 s10, $0x1;
	s10 =	sld [smem:$0x3FBA];
	_ =	sdelay $0x3  }
0x34: {  	[smem:$0x3FBA] =	sst s10  }
0x35: {  	s10 =	sld [smem:$0x3FB9];
	_ =	sdelay $0x3  }
0x36: {  	p1 =	seq.s32 s10, $0x1;
	s10 =	sld [smem:$0x3FBA];
	_ =	sdelay $0x3  }
0x37: {  	[smem:$0x3FBA] =	sst s10  }
0x38: {  	s10 =	sld [smem:$0x3FBB]  }
0x39: {  	_ = 	snop;
	(pc) =	sbr.ind lr, $3  }
0x3a: {  	_ = 	snop  }
0x3b: {  	_ = 	snop  }
0x3c: {  	p2 =	seq.s32 s10, $0x1;
	s10 =	sld [smem:$0x3FBA]  }
0x3d: {  	_ =	shalt  }
0x3e: {  	_ =	shalt  }
0x3f: {  	_ =	shalt  }
0x40: {  	_ =	shalt  }
0x41: {  	_ =	shalt  }
0x42: {  	_ =	shalt  }
0x43: {  	_ =	shalt  }
0x44: {  	_ =	shalt  }
0x45: {  	_ =	shalt  }
0x46: {  	_ =	shalt  }
0x47: {  	_ =	shalt  }
0x48: {  	_ =	shalt  }
0x49: {  	_ =	shalt  }
0x4a: {  	_ =	shalt  }
0x4b: {  	_ =	shalt  }
0x4c: {  	_ =	shalt  }
0x4d: {  	_ =	shalt  }
0x4e: {  	_ =	shalt  }
0x4f: {  	_ =	shalt  }
0x50: {  	_ =	shalt  }
0x51: {  	_ =	shalt  }
0x52: {  	_ =	shalt  }
0x53: {  	_ =	shalt  }
0x54: {  	_ =	shalt  }
0x55: {  	_ =	shalt  }
0x56: {  	_ =	shalt  }
0x57: {  	_ =	shalt  }
0x58: {  	_ =	shalt  }
0x59: {  	_ =	shalt  }
0x5a: {  	_ =	shalt  }
0x5b: {  	_ =	shalt  }
0x5c: {  	_ =	shalt  }
0x5d: {  	_ =	shalt  }
0x5e: {  	_ =	shalt  }
0x5f: {  	_ =	shalt  }
0x60: {  	_ =	shalt  }
0x61: {  	_ =	shalt  }
0x62: {  	_ =	shalt  }
0x63: {  	_ =	shalt  }
0x64: {  	_ =	shalt  }
0x65: {  	_ =	shalt  }
0x66: {  	_ =	shalt  }
0x67: {  	_ =	shalt  }
0x68: {  	_ =	shalt  }
0x69: {  	_ =	shalt  }
0x6a: {  	_ =	shalt  }
0x6b: {  	_ =	shalt  }
0x6c: {  	_ =	shalt  }
0x6d: {  	_ =	shalt  }
0x6e: {  	_ =	shalt  }
0x6f: {  	_ =	shalt  }
0x70: {  	_ =	shalt  }
0x71: {  	_ =	shalt  }
0x72: {  	_ =	shalt  }
0x73: {  	_ =	shalt  }
0x74: {  	_ =	shalt  }
0x75: {  	_ =	shalt  }
0x76: {  	_ =	shalt  }
0x77: {  	_ =	shalt  }
0x78: {  	_ =	shalt  }
0x79: {  	_ =	shalt  }
0x7a: {  	_ =	shalt  }
0x7b: {  	_ =	shalt  }
0x7c: {  	_ =	shalt  }
0x7d: {  	_ =	shalt  }
0x7e: {  	_ =	shalt  }
0x7f: {  	_ =	shalt  }
0x80: {  	_ =	shalt  }
0x81: {  	_ =	shalt  }
0x82: {  	_ =	shalt  }
0x83: {  	_ =	shalt  }
0x84: {  	_ =	shalt  }
0x85: {  	_ =	shalt  }
0x86: {  	_ =	shalt  }
0x87: {  	_ =	shalt  }
.Lfunc_end0:
.L_simem_size_0:
called_computation_lowered:
.L_overlay_start_0:
0x88: {  	s2 =	sld [smem:$0x3FD9]  }
0x89: {  	s3 =	sld [smem:$0x3FFE];
	_ =	sdelay $0x1  }
0x8a: {  	s1 =	srdreg.scid  }
0x8b: {  	s0 =	sand.u32 $0x1, s1  }
0x8c: {  	s15 =	sshll.u32 s0, $0xA;
	s2 =	sadd.s32 s3, s2  }
0x8d: {  	s2 =	sadd.s32 s2, s15  }
0x8e: {  	[smem:$0x3FC6] =	sst s2  }
0x8f: {  	_ = 	snop  }
0x90: {  	s2 =	sld [smem:$0x3FD0];
	_ =	sdelay $0x1  }
0x91: {  	s16 =	sld [smem:$0x3FC9]  }
0x92: {  	s5 =	simm.s32 $0xA;
	s6 =	simm.s32 $0x10;
	s4 =	sld [smem:$0x3FC8]  }
0x93: {  	[smem:s6], [sflag:s5] =	dma.local [hbm:s2], $0x1  }
0x94: {  	_ =	swait.eq [sflag:s5], $0x1  }
0x95: {  	[sflag:s5] =	ssyncset.done $0x0  }
0x96: {  	s17 =	sld [smem:$0x10];
	[sflag:s5] =	ssyncadd.s32 $0xFFFFFFFF  }
0x97: {  	s18 =	sld [smem:$0x11];
	(tm) =	ssettm $0x1  }
0x98: {  	s19 =	sld [smem:$0x3FFB];
	_ =	sdelay $0x3  }
0x99: {  	_ =	strace s19  }
0x9a: {  	s6 =	sld [smem:$0x3FFC];
	_ =	sdelay $0x3  }
0x9b: {  	_ =	strace s6  }
0x9c: {  	s6 =	sld [smem:$0x3FFD];
	_ =	sdelay $0x3  }
0x9d: {  	_ =	strace s6  }
0x9e: {  	_ =	strace $0x8FFFFFFF  }
0x9f: {  	s20 =	sld [smem:$0x3FDB];
	_ =	sdelay $0x1  }
0xa0: {  	s7 =	simm.s32 $_scs_section_size  }
0xa1: {  	s8 =	simm.s32 $_size__tile_overlayer_lowered;
	s9 =	simm.s32 $_tile_overlayer_lowered  }
0xa2: {  	s23 =	simm.s32 $0x1BFF;
	s22 =	sshll.u32 s9, $0x1;
	s6 =	sadd.s32 s7, s20  }
0xa3: {  	s10 =	simm.s32 $0x0;
	s21 =	sshll.u32 s8, $0x1;
	s8 =	sadd.s32 s22, s6  }
0xa4: {  	[timem:s10], [sflag:s23] =	dma.local [hbm:s8], s21  }
0xa5: {  	_ =	swait.ge [sflag:s23], s21  }
0xa6: {  	s7 =	ssub.s32 $0x0, s21;
	[sflag:s23] =	ssyncset.done $0x0  }
0xa7: {  	[sflag:s23] =	ssyncadd.s32 s7;
	_ =	sdelay $0x1  }
0xa8: {  	s24 =	simm.s32 $0x1B8B  }
0xa9: {  	_ =	swait.ge [sflag:s24], $0x1  }
0xaa: {  	[sflag:s24] =	ssyncset.done $0x0  }
0xab: {  	s25 =	simm.s32 $0x1B8E;
	[sflag:s24] =	ssyncadd.s32 $0xFFFFFFFF  }
0xac: {  	s26 =	simm.s32 $execute0_lowered;
	[smem:$0x3FD2] =	sst s25  }
0xad: {  	s7 =	sshll.u32 s26, $0x1;
	_ =	strace $0x80000046;
	[dreg:$0x1] =	wrdreg $0xFFFFFFFF  }
0xae: {  	s28 =	simm.s32 $_size_execute0_lowered;
	s6 =	sadd.s32 s6, s7;
	[dreg:$0x0] =	wrdreg $0x0  }
0xaf: {  	s7 =	sshll.u32 s28, $0x1;
	[dreg:$0x2] =	wrdreg s6  }
0xb0: {  	[dreg:$0x3] =	wrdreg s7  }
0xb1: {  	[dreg:$0x4] =	wrdreg $0xC0  }
0xb2: {  	_ =	task [dreg:s10], $0x5FFFF  }
0xb3: {  	[dreg:$0x1] =	wrdreg $0xFFFFFFFF  }
0xb4: {  	[dreg:$0x0] =	wrdreg $0x60  }
0xb5: {  	[dreg:$0x2] =	wrdreg s16  }
0xb6: {  	[dreg:$0x3] =	wrdreg s4  }
0xb7: {  	[dreg:$0x4] =	wrdreg s17  }
0xb8: {  	[dreg:$0x5] =	wrdreg s18  }
0xb9: {  	[dreg:$0x6] =	wrdreg $0x9  }
0xba: {  	_ =	task.clear_ibuf [dreg:s10], $0x7FFFF;
	_ =	strace $0x90000046  }
0xbb: {  	s29 =	simm.s32 $0x9;
	_ =	strace $0x80000048  }
0xbc: {  	_ =	swait.ge [sflag:s29], $0x1  }
0xbd: {  	[sflag:s29] =	ssyncadd.s32 $0xFFFFFFFF  }
0xbe: {  	_ =	strace $0x90000048  }
0xbf: {  	_ =	sfence  }
0xc0: {  	s30 =	sld [smem:$0x0];
	_ =	sdelay $0x2  }
0xc1: {  	s31 =	sshll.u32 s1, $0xD;
	s1 =	sshrl.u32 s1, $0x2  }
0xc2: {  	s3 =	sand.u32 $0x4000, s31;
	s1 =	sadd.s32 s1, s30  }
0xc3: {  	s0 =	sor.u32 s3, s0;
	s1 =	sshll.u32 s1, $0x11  }
0xc4: {  	s0 =	sor.u32 s1, s0  }
0xc5: {  	s0 =	sadd.s32 $0x8F2B, s0  }
0xc6: {  	[sflag:s0] =	ssyncadd.remote.s32 $0x1  }
0xc7: {  	_ =	sfence.sel $0xFFFF  }
0xc8: {  	[dreg:$0x0] =	wrdreg $0xFFFFFFFF;
	(pc) =	sbr.abs _section_cstart, $3  }
0xc9: {  	[dreg:$0x1] =	wrdreg $0xFFFFFFFF  }
0xca: {  	_ =	task.clear_ibuf [dreg:s10], $0x2FFFF;
	_ =	strace $0x9FFFFFFF  }
0xcb: {  	(tm) =	ssettm $0x7FFFFFFF  }
tec
execute0_lowered:
.L_overlay_start_1:
0x0: {  	(tag) =	ssettag $0x1  }
0x1: {  	s10 =	rddreg [dreg:$0x0]  }
0x2: {  	s1 =	rddreg [dreg:$0x1]  }
0x3: {  	s13 =	rddreg [dreg:$0x2]  }
0x4: {  	s19 =	rddreg [dreg:$0x3];
	s3 =	srdreg.scid  }
0x5: {  	s0 =	rddreg [dreg:$0x4];
	s2 =	stileid.u32;
	s25 =	simm.s32 $0x5  }
0x6: {  	s26 =	simm.s32 $0x0;
	s4 =	sand.u32 $0x1, s3;
	s3 =	simm.s32 $0x0  }
0x7: {  	s5 =	sshll.u32 s2, $0x10;
	s22 =	sadd.s32 $0x10, s10;
	s6 =	sshll.u32 s4, $0xF  }
0x8: {  	[smem:$0x7FF] =	sst s3;
	s4 =	ssub.s32 $0x2, s4;
	s7 =	sor.u32 s6, s5  }
0x9: {  	_ =	strace $0x80000047;
	s31 =	sshrl.u32 s4, $0x1;
	s6 =	sshrl.u32 s7, $0x7  }
0xa: {  	s20 =	ssub.s32 s4, s31;
	s11 =	sshrl.u32 s7, $0x2;
	s17 =	sshrl.u32 s7, $0x3  }
0xb: {  	s9 =	sor.u32 $0x40, s6;
	s4 =	sadd.s32 s10, s11;
	s14 =	sor.u32 $0x80, s6  }
0xc: {  	s16 =	sor.u32 $0xC0, s6;
	s7 =	sadd.s32 s13, s17;
	s20 =	smax.u32 s20, $0x1  }
0xd: {  	s12 =	sshll.u32 s9, $0x5;
	s15 =	sshll.u32 s14, $0x5;
	s18 =	sshll.u32 s16, $0x5  }
0xe: {  	s21 =	sshll.u32 s9, $0x4;
	s23 =	sshll.u32 s14, $0x4;
	s24 =	sshll.u32 s16, $0x4  }
0xf: {  	s5 =	sadd.s32 s10, s12;
	s6 =	sadd.s32 s10, s15;
	s8 =	sadd.s32 s10, s18  }
0x10: {  	s9 =	sadd.s32 s13, s21;
	s10 =	sadd.s32 s11, s22;
	s11 =	sadd.s32 s13, s23  }
0x11: {  	s12 =	sadd.s32 s12, s22;
	s13 =	sadd.s32 s13, s24;
	s14 =	sadd.s32 s15, s22  }
0x12: {  	s15 =	sadd.s32 s19, s17;
	s16 =	sadd.s32 s18, s22;
	s17 =	sadd.s32 s19, s21  }
0x13: {  	s18 =	sadd.s32 s19, s23;
	s19 =	sadd.s32 s19, s24;
	s21 =	simm.s32 $0x1  }
0x14: {  	s22 =	simm.s32 $0x2;
	s23 =	simm.s32 $0x3;
	s24 =	simm.s32 $0x4  }
.LBB2_1:
0x15: {  	[tilespmem:s3], [sflag:$0x1] =	stream.linear.gather [hbm4b:s1+s3], $0x10000, $0x38;
	[tilespmem:$0x18000] =	vst v63  }
0x16: {  	s28 =	simm.s32 $0x10000  }
0x17: {  	s29 =	simm.s32 $0x20;
	s31 =	sadd.s32 $0x0, s4;
	s30 =	simm.s32 $0x10100  }
.LBB2_2:
0x18: {  	[tilespmem:s28], [sflag:$0x2] =	stream.linear.gather [hbm4b:s31+s3], $0x80, $0x38;
	[tilespmem:$0x18000] =	vst v63  }
0x19: {  	s31 =	smov.u32 s29;
	s28 =	smov.u32 s30;
	p0 =	sne.s32 s29, $0x7E0  }
.Ltmp0:
0x1a: {  	s29 =	sadd.s32 $0x20, s29;
	(pc) =	sbr.rel @p0 .LBB2_2-.Ltmp0, $2  }
0x1b: {  	_ =	sdelay $0x2  }
0x1c: {  	s30 =	sadd.s32 $0x100, s30;
	s31 =	sadd.s32 s31, s4  }
0x1d: {  	[tilespmem:s28], [sflag:$0x2] =	stream.linear.gather [hbm4b:s31+s3], $0x80, $0x38;
	[tilespmem:$0x18000] =	vst v63  }
0x1e: {  	s28 =	simm.s32 $0x10080  }
0x1f: {  	s29 =	simm.s32 $0x20;
	s31 =	sadd.s32 $0x0, s5;
	s30 =	simm.s32 $0x10180  }
.LBB2_4:
0x20: {  	[tilespmem:s28], [sflag:$0x3] =	stream.linear.gather [hbm4b:s31+s3], $0x80, $0x38;
	[tilespmem:$0x18000] =	vst v63  }
0x21: {  	s31 =	smov.u32 s29;
	s28 =	smov.u32 s30;
	p0 =	sne.s32 s29, $0x7E0  }
.Ltmp1:
0x22: {  	s29 =	sadd.s32 $0x20, s29;
	(pc) =	sbr.rel @p0 .LBB2_4-.Ltmp1, $2  }
0x23: {  	_ =	sdelay $0x2  }
0x24: {  	s30 =	sadd.s32 $0x100, s30;
	s31 =	sadd.s32 s31, s5  }
0x25: {  	[tilespmem:s28], [sflag:$0x3] =	stream.linear.gather [hbm4b:s31+s3], $0x80, $0x38;
	[tilespmem:$0x18000] =	vst v63  }
0x26: {  	_ =	swait.ge [sflag:s21], $0x10000  }
0x27: {  	[sflag:s21] =	ssyncset.done $0x0  }
0x28: {  	[sflag:s21] =	ssyncadd.s32 $0xFFFF0000  }
0x29: {  	_ =	swait.ge [sflag:s22], $0x2000  }
0x2a: {  	[sflag:s22] =	ssyncset.done $0x0  }
0x2b: {  	s28 =	simm.s32 $0x10040;
	[sflag:s22] =	ssyncadd.s32 $0xFFFFE000  }
0x2c: {  	v0 =	vld [tilespmem:s28+$0x30]  }
0x2d: {  	v1 =	vld [tilespmem:s28+$0xFFFFFFD0]  }
0x2e: {  	v2 =	vld [tilespmem:s28+$0xFFFFFFE0]  }
0x2f: {  	v3 =	vld [tilespmem:s28+$0xFFFFFFF0]  }
0x30: {  	v4 =	vld [tilespmem:s28+$0x0]  }
0x31: {  	v6 =	vld [tilespmem:s28+$0x10]  }
0x32: {  	v7 =	vld [tilespmem:s28+$0x20]  }
0x33: {  	v8 =	vld [tilespmem:s28+$0xFFFFFFC0]  }
0x34: {  	v9 =	vld.idx.msk [tilespmem:v0+s3+$0x0], $0xffff  }
0x35: {  	v10 =	vld.idx.msk [tilespmem:v1+s3+$0x0], $0xffff  }
0x36: {  	v5 =	vld.idx.msk [tilespmem:v2+s3+$0x0], $0xffff  }
0x37: {  	v3 =	vld.idx.msk [tilespmem:v3+s3+$0x0], $0xffff  }
0x38: {  	v0 =	vld.idx.msk [tilespmem:v4+s3+$0x0], $0xffff  }
0x39: {  	s28 =	simm.s32 $0x14040;
	v1 =	vld.idx.msk [tilespmem:v6+s3+$0x0], $0xffff  }
0x3a: {  	v2 =	vld.idx.msk [tilespmem:v7+s3+$0x0], $0xffff;
	[tilespmem:s28+$0x30] =	vst v9  }
0x3b: {  	s29 =	simm.s32 $0x0;
	s30 =	simm.s32 $0x10140;
	v4 =	vld.idx.msk [tilespmem:v8+s3+$0x0], $0xffff;
	[tilespmem:s28+$0xFFFFFFD0] =	vst v10  }
.LBB2_6:
0x3c: {  	v6 =	vld [tilespmem:s30+$0x30];
	s29 =	sadd.s32 $0x80, s29;
	[tilespmem:s28+$0xFFFFFFE0] =	vst v5  }
0x3d: {  	v5 =	vld [tilespmem:s30+$0xFFFFFFD0];
	p0 =	slt.u32 s29, $0x1F80;
	[tilespmem:s28+$0xFFFFFFF0] =	vst v3  }
0x3e: {  	v3 =	vld [tilespmem:s30+$0xFFFFFFE0];
	[tilespmem:s28+$0x0] =	vst v0  }
0x3f: {  	v0 =	vld [tilespmem:s30+$0xFFFFFFF0];
	[tilespmem:s28+$0x10] =	vst v1  }
0x40: {  	v1 =	vld [tilespmem:s30+$0x0];
	[tilespmem:s28+$0x20] =	vst v2  }
0x41: {  	v2 =	vld [tilespmem:s30+$0x10];
	[tilespmem:s28+$0xFFFFFFC0] =	vst v4  }
0x42: {  	v4 =	vld [tilespmem:s30+$0x20]  }
0x43: {  	v7 =	vld [tilespmem:s30+$0xFFFFFFC0]  }
0x44: {  	v6 =	vld.idx.msk [tilespmem:v6+s3+$0x0], $0xffff  }
0x45: {  	v8 =	vld.idx.msk [tilespmem:v5+s3+$0x0], $0xffff  }
0x46: {  	v5 =	vld.idx.msk [tilespmem:v3+s3+$0x0], $0xffff  }
.Ltmp2:
0x47: {  	v3 =	vld.idx.msk [tilespmem:v0+s3+$0x0], $0xffff;
	(pc) =	sbr.rel @p0 .LBB2_6-.Ltmp2, $4  }
0x48: {  	v0 =	vld.idx.msk [tilespmem:v1+s3+$0x0], $0xffff  }
0x49: {  	s28 =	sadd.s32 $0x100, s28;
	v1 =	vld.idx.msk [tilespmem:v2+s3+$0x0], $0xffff  }
0x4a: {  	v2 =	vld.idx.msk [tilespmem:v4+s3+$0x0], $0xffff;
	[tilespmem:s28+$0x30] =	vst v6  }
0x4b: {  	s30 =	sadd.s32 $0x100, s30;
	v4 =	vld.idx.msk [tilespmem:v7+s3+$0x0], $0xffff;
	[tilespmem:s28+$0xFFFFFFD0] =	vst v8  }
0x4c: {  	[tilespmem:s28+$0xFFFFFFE0] =	vst v5  }
0x4d: {  	[tilespmem:s28+$0xFFFFFFF0] =	vst v3  }
0x4e: {  	[tilespmem:s28+$0x0] =	vst v0  }
0x4f: {  	[tilespmem:s28+$0x10] =	vst v1  }
0x50: {  	s29 =	simm.s32 $0x10000;
	[tilespmem:s28+$0x20] =	vst v2  }
0x51: {  	s31 =	sadd.s32 $0x0, s6;
	s30 =	simm.s32 $0x10100;
	[tilespmem:s28+$0xFFFFFFC0] =	vst v4;
	s28 =	simm.s32 $0x20  }
.LBB2_8:
0x52: {  	[tilespmem:s29], [sflag:$0x2] =	stream.linear.gather [hbm4b:s31+s3], $0x80, $0x38;
	[tilespmem:$0x18000] =	vst v63  }
0x53: {  	s31 =	smov.u32 s28;
	s29 =	smov.u32 s30;
	p0 =	sne.s32 s28, $0x7E0  }
.Ltmp3:
0x54: {  	s28 =	sadd.s32 $0x20, s28;
	(pc) =	sbr.rel @p0 .LBB2_8-.Ltmp3, $2  }
0x55: {  	_ =	sdelay $0x2  }
0x56: {  	s30 =	sadd.s32 $0x100, s30;
	s31 =	sadd.s32 s31, s6  }
0x57: {  	[tilespmem:s29], [sflag:$0x2] =	stream.linear.gather [hbm4b:s31+s3], $0x80, $0x38;
	[tilespmem:$0x18000] =	vst v63  }
0x58: {  	s28 =	simm.s32 $0x14000  }
0x59: {  	s29 =	simm.s32 $0x10;
	s31 =	sadd.s32 $0x0, s7;
	s30 =	simm.s32 $0x14100  }
.LBB2_10:
0x5a: {  	[hbm4b:s31+s3] =	stream.linear.scatter [tilespmem:s28], [sflag:$0x4], $0x80, $0x38;
	[tilespmem:$0x18000] =	vst v63  }
0x5b: {  	s31 =	smov.u32 s29;
	s28 =	smov.u32 s30;
	p0 =	sne.s32 s29, $0x3F0  }
.Ltmp4:
0x5c: {  	s29 =	sadd.s32 $0x10, s29;
	(pc) =	sbr.rel @p0 .LBB2_10-.Ltmp4, $2  }
0x5d: {  	_ =	sdelay $0x2  }
0x5e: {  	s30 =	sadd.s32 $0x100, s30;
	s31 =	sadd.s32 s31, s7  }
0x5f: {  	[hbm4b:s31+s3] =	stream.linear.scatter [tilespmem:s28], [sflag:$0x4], $0x80, $0x38;
	[tilespmem:$0x18000] =	vst v63  }
0x60: {  	_ =	swait.ge [sflag:s23], $0x2000  }
0x61: {  	[sflag:s23] =	ssyncset.done $0x0  }
0x62: {  	s28 =	simm.s32 $0x100F0;
	[sflag:s23] =	ssyncadd.s32 $0xFFFFE000  }
0x63: {  	v0 =	vld [tilespmem:s28+$0x0]  }
0x64: {  	v1 =	vld [tilespmem:s28+$0xFFFFFFA0]  }
0x65: {  	v2 =	vld [tilespmem:s28+$0xFFFFFFB0]  }
0x66: {  	v3 =	vld [tilespmem:s28+$0xFFFFFFC0]  }
0x67: {  	v4 =	vld [tilespmem:s28+$0xFFFFFFD0]  }
0x68: {  	v6 =	vld [tilespmem:s28+$0xFFFFFFE0]  }
0x69: {  	v7 =	vld [tilespmem:s28+$0xFFFFFFF0]  }
0x6a: {  	v8 =	vld [tilespmem:s28+$0xFFFFFF90]  }
0x6b: {  	v9 =	vld.idx.msk [tilespmem:v0+s3+$0x0], $0xffff  }
0x6c: {  	v10 =	vld.idx.msk [tilespmem:v1+s3+$0x0], $0xffff  }
0x6d: {  	v5 =	vld.idx.msk [tilespmem:v2+s3+$0x0], $0xffff  }
0x6e: {  	v3 =	vld.idx.msk [tilespmem:v3+s3+$0x0], $0xffff  }
0x6f: {  	v0 =	vld.idx.msk [tilespmem:v4+s3+$0x0], $0xffff  }
0x70: {  	s28 =	simm.s32 $0x140F0;
	v1 =	vld.idx.msk [tilespmem:v6+s3+$0x0], $0xffff  }
0x71: {  	v2 =	vld.idx.msk [tilespmem:v7+s3+$0x0], $0xffff;
	[tilespmem:s28+$0x0] =	vst v9  }
0x72: {  	s29 =	simm.s32 $0x0;
	s30 =	simm.s32 $0x101F0;
	v4 =	vld.idx.msk [tilespmem:v8+s3+$0x0], $0xffff;
	[tilespmem:s28+$0xFFFFFFA0] =	vst v10  }
.LBB2_12:
0x73: {  	v6 =	vld [tilespmem:s30+$0x0];
	s29 =	sadd.s32 $0x80, s29;
	[tilespmem:s28+$0xFFFFFFB0] =	vst v5  }
0x74: {  	v5 =	vld [tilespmem:s30+$0xFFFFFFA0];
	p0 =	slt.u32 s29, $0x1F80;
	[tilespmem:s28+$0xFFFFFFC0] =	vst v3  }
0x75: {  	v3 =	vld [tilespmem:s30+$0xFFFFFFB0];
	[tilespmem:s28+$0xFFFFFFD0] =	vst v0  }
0x76: {  	v0 =	vld [tilespmem:s30+$0xFFFFFFC0];
	[tilespmem:s28+$0xFFFFFFE0] =	vst v1  }
0x77: {  	v1 =	vld [tilespmem:s30+$0xFFFFFFD0];
	[tilespmem:s28+$0xFFFFFFF0] =	vst v2  }
0x78: {  	v2 =	vld [tilespmem:s30+$0xFFFFFFE0];
	[tilespmem:s28+$0xFFFFFF90] =	vst v4  }
0x79: {  	v4 =	vld [tilespmem:s30+$0xFFFFFFF0]  }
0x7a: {  	v7 =	vld [tilespmem:s30+$0xFFFFFF90]  }
0x7b: {  	v6 =	vld.idx.msk [tilespmem:v6+s3+$0x0], $0xffff  }
0x7c: {  	v8 =	vld.idx.msk [tilespmem:v5+s3+$0x0], $0xffff  }
0x7d: {  	v5 =	vld.idx.msk [tilespmem:v3+s3+$0x0], $0xffff  }
.Ltmp5:
0x7e: {  	v3 =	vld.idx.msk [tilespmem:v0+s3+$0x0], $0xffff;
	(pc) =	sbr.rel @p0 .LBB2_12-.Ltmp5, $4  }
0x7f: {  	v0 =	vld.idx.msk [tilespmem:v1+s3+$0x0], $0xffff  }
0x80: {  	s28 =	sadd.s32 $0x100, s28;
	v1 =	vld.idx.msk [tilespmem:v2+s3+$0x0], $0xffff  }
0x81: {  	v2 =	vld.idx.msk [tilespmem:v4+s3+$0x0], $0xffff;
	[tilespmem:s28+$0x0] =	vst v6  }
0x82: {  	s30 =	sadd.s32 $0x100, s30;
	v4 =	vld.idx.msk [tilespmem:v7+s3+$0x0], $0xffff;
	[tilespmem:s28+$0xFFFFFFA0] =	vst v8  }
0x83: {  	[tilespmem:s28+$0xFFFFFFB0] =	vst v5  }
0x84: {  	[tilespmem:s28+$0xFFFFFFC0] =	vst v3  }
0x85: {  	[tilespmem:s28+$0xFFFFFFD0] =	vst v0  }
0x86: {  	[tilespmem:s28+$0xFFFFFFE0] =	vst v1  }
0x87: {  	s29 =	simm.s32 $0x10080;
	[tilespmem:s28+$0xFFFFFFF0] =	vst v2  }
0x88: {  	s31 =	sadd.s32 $0x0, s8;
	s30 =	simm.s32 $0x10180;
	[tilespmem:s28+$0xFFFFFF90] =	vst v4;
	s28 =	simm.s32 $0x20  }
.LBB2_14:
0x89: {  	[tilespmem:s29], [sflag:$0x3] =	stream.linear.gather [hbm4b:s31+s3], $0x80, $0x38;
	[tilespmem:$0x18000] =	vst v63  }
0x8a: {  	s31 =	smov.u32 s28;
	s29 =	smov.u32 s30;
	p0 =	sne.s32 s28, $0x7E0  }
.Ltmp6:
0x8b: {  	s28 =	sadd.s32 $0x20, s28;
	(pc) =	sbr.rel @p0 .LBB2_14-.Ltmp6, $2  }
0x8c: {  	_ =	sdelay $0x2  }
0x8d: {  	s30 =	sadd.s32 $0x100, s30;
	s31 =	sadd.s32 s31, s8  }
0x8e: {  	[tilespmem:s29], [sflag:$0x3] =	stream.linear.gather [hbm4b:s31+s3], $0x80, $0x38;
	[tilespmem:$0x18000] =	vst v63  }
0x8f: {  	s28 =	simm.s32 $0x14080  }
0x90: {  	s29 =	simm.s32 $0x10;
	s31 =	sadd.s32 $0x0, s9;
	s30 =	simm.s32 $0x14180  }
.LBB2_16:
0x91: {  	[hbm4b:s31+s3] =	stream.linear.scatter [tilespmem:s28], [sflag:$0x5], $0x80, $0x38;
	[tilespmem:$0x18000] =	vst v63  }
0x92: {  	s31 =	smov.u32 s29;
	s28 =	smov.u32 s30;
	p0 =	sne.s32 s29, $0x3F0  }
.Ltmp7:
0x93: {  	s29 =	sadd.s32 $0x10, s29;
	(pc) =	sbr.rel @p0 .LBB2_16-.Ltmp7, $2  }
0x94: {  	_ =	sdelay $0x2  }
0x95: {  	s30 =	sadd.s32 $0x100, s30;
	s31 =	sadd.s32 s31, s9  }
0x96: {  	[hbm4b:s31+s3] =	stream.linear.scatter [tilespmem:s28], [sflag:$0x5], $0x80, $0x38;
	[tilespmem:$0x18000] =	vst v63  }
0x97: {  	_ =	swait.ge [sflag:s22], $0x2000  }
0x98: {  	[sflag:s22] =	ssyncset.done $0x0  }
0x99: {  	[sflag:s22] =	ssyncadd.s32 $0xFFFFE000  }
0x9a: {  	_ =	swait.ge [sflag:s24], $0x2000  }
0x9b: {  	[sflag:s24] =	ssyncset.done $0x0  }
0x9c: {  	s28 =	simm.s32 $0x10040;
	[sflag:s24] =	ssyncadd.s32 $0xFFFFE000  }
0x9d: {  	v0 =	vld [tilespmem:s28+$0x30]  }
0x9e: {  	v1 =	vld [tilespmem:s28+$0xFFFFFFD0]  }
0x9f: {  	v2 =	vld [tilespmem:s28+$0xFFFFFFE0]  }
0xa0: {  	v3 =	vld [tilespmem:s28+$0xFFFFFFF0]  }
0xa1: {  	v4 =	vld [tilespmem:s28+$0x0]  }
0xa2: {  	v6 =	vld [tilespmem:s28+$0x10]  }
0xa3: {  	v7 =	vld [tilespmem:s28+$0x20]  }
0xa4: {  	v8 =	vld [tilespmem:s28+$0xFFFFFFC0]  }
0xa5: {  	v9 =	vld.idx.msk [tilespmem:v0+s3+$0x0], $0xffff  }
0xa6: {  	v10 =	vld.idx.msk [tilespmem:v1+s3+$0x0], $0xffff  }
0xa7: {  	v5 =	vld.idx.msk [tilespmem:v2+s3+$0x0], $0xffff  }
0xa8: {  	v3 =	vld.idx.msk [tilespmem:v3+s3+$0x0], $0xffff  }
0xa9: {  	v0 =	vld.idx.msk [tilespmem:v4+s3+$0x0], $0xffff  }
0xaa: {  	s28 =	simm.s32 $0x14040;
	v1 =	vld.idx.msk [tilespmem:v6+s3+$0x0], $0xffff  }
0xab: {  	v2 =	vld.idx.msk [tilespmem:v7+s3+$0x0], $0xffff;
	[tilespmem:s28+$0x30] =	vst v9  }
0xac: {  	s29 =	simm.s32 $0x0;
	s30 =	simm.s32 $0x10140;
	v4 =	vld.idx.msk [tilespmem:v8+s3+$0x0], $0xffff;
	[tilespmem:s28+$0xFFFFFFD0] =	vst v10  }
.LBB2_18:
0xad: {  	v6 =	vld [tilespmem:s30+$0x30];
	s29 =	sadd.s32 $0x80, s29;
	[tilespmem:s28+$0xFFFFFFE0] =	vst v5  }
0xae: {  	v5 =	vld [tilespmem:s30+$0xFFFFFFD0];
	p0 =	slt.u32 s29, $0x1F80;
	[tilespmem:s28+$0xFFFFFFF0] =	vst v3  }
0xaf: {  	v3 =	vld [tilespmem:s30+$0xFFFFFFE0];
	[tilespmem:s28+$0x0] =	vst v0  }
0xb0: {  	v0 =	vld [tilespmem:s30+$0xFFFFFFF0];
	[tilespmem:s28+$0x10] =	vst v1  }
0xb1: {  	v1 =	vld [tilespmem:s30+$0x0];
	[tilespmem:s28+$0x20] =	vst v2  }
0xb2: {  	v2 =	vld [tilespmem:s30+$0x10];
	[tilespmem:s28+$0xFFFFFFC0] =	vst v4  }
0xb3: {  	v4 =	vld [tilespmem:s30+$0x20]  }
0xb4: {  	v7 =	vld [tilespmem:s30+$0xFFFFFFC0]  }
0xb5: {  	v6 =	vld.idx.msk [tilespmem:v6+s3+$0x0], $0xffff  }
0xb6: {  	v8 =	vld.idx.msk [tilespmem:v5+s3+$0x0], $0xffff  }
0xb7: {  	v5 =	vld.idx.msk [tilespmem:v3+s3+$0x0], $0xffff  }
.Ltmp8:
0xb8: {  	v3 =	vld.idx.msk [tilespmem:v0+s3+$0x0], $0xffff;
	(pc) =	sbr.rel @p0 .LBB2_18-.Ltmp8, $4  }
0xb9: {  	v0 =	vld.idx.msk [tilespmem:v1+s3+$0x0], $0xffff  }
0xba: {  	s28 =	sadd.s32 $0x100, s28;
	v1 =	vld.idx.msk [tilespmem:v2+s3+$0x0], $0xffff  }
0xbb: {  	v2 =	vld.idx.msk [tilespmem:v4+s3+$0x0], $0xffff;
	[tilespmem:s28+$0x30] =	vst v6  }
0xbc: {  	s30 =	sadd.s32 $0x100, s30;
	v4 =	vld.idx.msk [tilespmem:v7+s3+$0x0], $0xffff;
	[tilespmem:s28+$0xFFFFFFD0] =	vst v8  }
0xbd: {  	[tilespmem:s28+$0xFFFFFFE0] =	vst v5  }
0xbe: {  	[tilespmem:s28+$0xFFFFFFF0] =	vst v3  }
0xbf: {  	[tilespmem:s28+$0x0] =	vst v0  }
0xc0: {  	[tilespmem:s28+$0x10] =	vst v1  }
0xc1: {  	s29 =	simm.s32 $0x10000;
	[tilespmem:s28+$0x20] =	vst v2  }
0xc2: {  	s31 =	sadd.s32 $0x0, s10;
	s30 =	simm.s32 $0x10100;
	[tilespmem:s28+$0xFFFFFFC0] =	vst v4;
	s28 =	simm.s32 $0x20  }
.LBB2_20:
0xc3: {  	[tilespmem:s29], [sflag:$0x2] =	stream.linear.gather [hbm4b:s31+s3], $0x80, $0x38;
	[tilespmem:$0x18000] =	vst v63  }
0xc4: {  	s31 =	smov.u32 s28;
	s29 =	smov.u32 s30;
	p0 =	sne.s32 s28, $0x7E0  }
.Ltmp9:
0xc5: {  	s28 =	sadd.s32 $0x20, s28;
	(pc) =	sbr.rel @p0 .LBB2_20-.Ltmp9, $2  }
0xc6: {  	_ =	sdelay $0x2  }
0xc7: {  	s30 =	sadd.s32 $0x100, s30;
	s31 =	sadd.s32 s31, s10  }
0xc8: {  	[tilespmem:s29], [sflag:$0x2] =	stream.linear.gather [hbm4b:s31+s3], $0x80, $0x38;
	[tilespmem:$0x18000] =	vst v63  }
0xc9: {  	s28 =	simm.s32 $0x14000  }
0xca: {  	s29 =	simm.s32 $0x10;
	s31 =	sadd.s32 $0x0, s11;
	s30 =	simm.s32 $0x14100  }
.LBB2_22:
0xcb: {  	[hbm4b:s31+s3] =	stream.linear.scatter [tilespmem:s28], [sflag:$0x4], $0x80, $0x38;
	[tilespmem:$0x18000] =	vst v63  }
0xcc: {  	s31 =	smov.u32 s29;
	s28 =	smov.u32 s30;
	p0 =	sne.s32 s29, $0x3F0  }
.Ltmp10:
0xcd: {  	s29 =	sadd.s32 $0x10, s29;
	(pc) =	sbr.rel @p0 .LBB2_22-.Ltmp10, $2  }
0xce: {  	_ =	sdelay $0x2  }
0xcf: {  	s30 =	sadd.s32 $0x100, s30;
	s31 =	sadd.s32 s31, s11  }
0xd0: {  	[hbm4b:s31+s3] =	stream.linear.scatter [tilespmem:s28], [sflag:$0x4], $0x80, $0x38;
	[tilespmem:$0x18000] =	vst v63  }
0xd1: {  	_ =	swait.ge [sflag:s23], $0x2000  }
0xd2: {  	[sflag:s23] =	ssyncset.done $0x0  }
0xd3: {  	[sflag:s23] =	ssyncadd.s32 $0xFFFFE000  }
0xd4: {  	_ =	swait.ge [sflag:s25], $0x2000  }
0xd5: {  	[sflag:s25] =	ssyncset.done $0x0  }
0xd6: {  	s28 =	simm.s32 $0x100F0;
	[sflag:s25] =	ssyncadd.s32 $0xFFFFE000  }
0xd7: {  	v0 =	vld [tilespmem:s28+$0x0]  }
0xd8: {  	v1 =	vld [tilespmem:s28+$0xFFFFFFA0]  }
0xd9: {  	v2 =	vld [tilespmem:s28+$0xFFFFFFB0]  }
0xda: {  	v3 =	vld [tilespmem:s28+$0xFFFFFFC0]  }
0xdb: {  	v4 =	vld [tilespmem:s28+$0xFFFFFFD0]  }
0xdc: {  	v6 =	vld [tilespmem:s28+$0xFFFFFFE0]  }
0xdd: {  	v7 =	vld [tilespmem:s28+$0xFFFFFFF0]  }
0xde: {  	v8 =	vld [tilespmem:s28+$0xFFFFFF90]  }
0xdf: {  	v9 =	vld.idx.msk [tilespmem:v0+s3+$0x0], $0xffff  }
0xe0: {  	v10 =	vld.idx.msk [tilespmem:v1+s3+$0x0], $0xffff  }
0xe1: {  	v5 =	vld.idx.msk [tilespmem:v2+s3+$0x0], $0xffff  }
0xe2: {  	v3 =	vld.idx.msk [tilespmem:v3+s3+$0x0], $0xffff  }
0xe3: {  	v0 =	vld.idx.msk [tilespmem:v4+s3+$0x0], $0xffff  }
0xe4: {  	s28 =	simm.s32 $0x140F0;
	v1 =	vld.idx.msk [tilespmem:v6+s3+$0x0], $0xffff  }
0xe5: {  	v2 =	vld.idx.msk [tilespmem:v7+s3+$0x0], $0xffff;
	[tilespmem:s28+$0x0] =	vst v9  }
0xe6: {  	s29 =	simm.s32 $0x0;
	s30 =	simm.s32 $0x101F0;
	v4 =	vld.idx.msk [tilespmem:v8+s3+$0x0], $0xffff;
	[tilespmem:s28+$0xFFFFFFA0] =	vst v10  }
.LBB2_24:
0xe7: {  	v6 =	vld [tilespmem:s30+$0x0];
	s29 =	sadd.s32 $0x80, s29;
	[tilespmem:s28+$0xFFFFFFB0] =	vst v5  }
0xe8: {  	v5 =	vld [tilespmem:s30+$0xFFFFFFA0];
	p0 =	slt.u32 s29, $0x1F80;
	[tilespmem:s28+$0xFFFFFFC0] =	vst v3  }
0xe9: {  	v3 =	vld [tilespmem:s30+$0xFFFFFFB0];
	[tilespmem:s28+$0xFFFFFFD0] =	vst v0  }
0xea: {  	v0 =	vld [tilespmem:s30+$0xFFFFFFC0];
	[tilespmem:s28+$0xFFFFFFE0] =	vst v1  }
0xeb: {  	v1 =	vld [tilespmem:s30+$0xFFFFFFD0];
	[tilespmem:s28+$0xFFFFFFF0] =	vst v2  }
0xec: {  	v2 =	vld [tilespmem:s30+$0xFFFFFFE0];
	[tilespmem:s28+$0xFFFFFF90] =	vst v4  }
0xed: {  	v4 =	vld [tilespmem:s30+$0xFFFFFFF0]  }
0xee: {  	v7 =	vld [tilespmem:s30+$0xFFFFFF90]  }
0xef: {  	v6 =	vld.idx.msk [tilespmem:v6+s3+$0x0], $0xffff  }
0xf0: {  	v8 =	vld.idx.msk [tilespmem:v5+s3+$0x0], $0xffff  }
0xf1: {  	v5 =	vld.idx.msk [tilespmem:v3+s3+$0x0], $0xffff  }
.Ltmp11:
0xf2: {  	v3 =	vld.idx.msk [tilespmem:v0+s3+$0x0], $0xffff;
	(pc) =	sbr.rel @p0 .LBB2_24-.Ltmp11, $4  }
0xf3: {  	v0 =	vld.idx.msk [tilespmem:v1+s3+$0x0], $0xffff  }
0xf4: {  	s28 =	sadd.s32 $0x100, s28;
	v1 =	vld.idx.msk [tilespmem:v2+s3+$0x0], $0xffff  }
0xf5: {  	v2 =	vld.idx.msk [tilespmem:v4+s3+$0x0], $0xffff;
	[tilespmem:s28+$0x0] =	vst v6  }
0xf6: {  	s30 =	sadd.s32 $0x100, s30;
	v4 =	vld.idx.msk [tilespmem:v7+s3+$0x0], $0xffff;
	[tilespmem:s28+$0xFFFFFFA0] =	vst v8  }
0xf7: {  	[tilespmem:s28+$0xFFFFFFB0] =	vst v5  }
0xf8: {  	[tilespmem:s28+$0xFFFFFFC0] =	vst v3  }
0xf9: {  	[tilespmem:s28+$0xFFFFFFD0] =	vst v0  }
0xfa: {  	[tilespmem:s28+$0xFFFFFFE0] =	vst v1  }
0xfb: {  	s29 =	simm.s32 $0x10080;
	[tilespmem:s28+$0xFFFFFFF0] =	vst v2  }
0xfc: {  	s31 =	sadd.s32 $0x0, s12;
	s30 =	simm.s32 $0x10180;
	[tilespmem:s28+$0xFFFFFF90] =	vst v4;
	s28 =	simm.s32 $0x20  }
.LBB2_26:
0xfd: {  	[tilespmem:s29], [sflag:$0x3] =	stream.linear.gather [hbm4b:s31+s3], $0x80, $0x38;
	[tilespmem:$0x18000] =	vst v63  }
0xfe: {  	s31 =	smov.u32 s28;
	s29 =	smov.u32 s30;
	p0 =	sne.s32 s28, $0x7E0  }
.Ltmp12:
0xff: {  	s28 =	sadd.s32 $0x20, s28;
	(pc) =	sbr.rel @p0 .LBB2_26-.Ltmp12, $2  }
0x100: {  	_ =	sdelay $0x2  }
0x101: {  	s30 =	sadd.s32 $0x100, s30;
	s31 =	sadd.s32 s31, s12  }
0x102: {  	[tilespmem:s29], [sflag:$0x3] =	stream.linear.gather [hbm4b:s31+s3], $0x80, $0x38;
	[tilespmem:$0x18000] =	vst v63  }
0x103: {  	s28 =	simm.s32 $0x14080  }
0x104: {  	s29 =	simm.s32 $0x10;
	s31 =	sadd.s32 $0x0, s13;
	s30 =	simm.s32 $0x14180  }
.LBB2_28:
0x105: {  	[hbm4b:s31+s3] =	stream.linear.scatter [tilespmem:s28], [sflag:$0x5], $0x80, $0x38;
	[tilespmem:$0x18000] =	vst v63  }
0x106: {  	s31 =	smov.u32 s29;
	s28 =	smov.u32 s30;
	p0 =	sne.s32 s29, $0x3F0  }
.Ltmp13:
0x107: {  	s29 =	sadd.s32 $0x10, s29;
	(pc) =	sbr.rel @p0 .LBB2_28-.Ltmp13, $2  }
0x108: {  	_ =	sdelay $0x2  }
0x109: {  	s30 =	sadd.s32 $0x100, s30;
	s31 =	sadd.s32 s31, s13  }
0x10a: {  	[hbm4b:s31+s3] =	stream.linear.scatter [tilespmem:s28], [sflag:$0x5], $0x80, $0x38;
	[tilespmem:$0x18000] =	vst v63  }
0x10b: {  	_ =	swait.ge [sflag:s22], $0x2000  }
0x10c: {  	[sflag:s22] =	ssyncset.done $0x0  }
0x10d: {  	[sflag:s22] =	ssyncadd.s32 $0xFFFFE000  }
0x10e: {  	_ =	swait.ge [sflag:s24], $0x2000  }
0x10f: {  	[sflag:s24] =	ssyncset.done $0x0  }
0x110: {  	s28 =	simm.s32 $0x10040;
	[sflag:s24] =	ssyncadd.s32 $0xFFFFE000  }
0x111: {  	v0 =	vld [tilespmem:s28+$0x30]  }
0x112: {  	v1 =	vld [tilespmem:s28+$0xFFFFFFD0]  }
0x113: {  	v2 =	vld [tilespmem:s28+$0xFFFFFFE0]  }
0x114: {  	v3 =	vld [tilespmem:s28+$0xFFFFFFF0]  }
0x115: {  	v4 =	vld [tilespmem:s28+$0x0]  }
0x116: {  	v6 =	vld [tilespmem:s28+$0x10]  }
0x117: {  	v7 =	vld [tilespmem:s28+$0x20]  }
0x118: {  	v8 =	vld [tilespmem:s28+$0xFFFFFFC0]  }
0x119: {  	v9 =	vld.idx.msk [tilespmem:v0+s3+$0x0], $0xffff  }
0x11a: {  	v10 =	vld.idx.msk [tilespmem:v1+s3+$0x0], $0xffff  }
0x11b: {  	v5 =	vld.idx.msk [tilespmem:v2+s3+$0x0], $0xffff  }
0x11c: {  	v3 =	vld.idx.msk [tilespmem:v3+s3+$0x0], $0xffff  }
0x11d: {  	v0 =	vld.idx.msk [tilespmem:v4+s3+$0x0], $0xffff  }
0x11e: {  	s28 =	simm.s32 $0x14040;
	v1 =	vld.idx.msk [tilespmem:v6+s3+$0x0], $0xffff  }
0x11f: {  	v2 =	vld.idx.msk [tilespmem:v7+s3+$0x0], $0xffff;
	[tilespmem:s28+$0x30] =	vst v9  }
0x120: {  	s29 =	simm.s32 $0x0;
	s30 =	simm.s32 $0x10140;
	v4 =	vld.idx.msk [tilespmem:v8+s3+$0x0], $0xffff;
	[tilespmem:s28+$0xFFFFFFD0] =	vst v10  }
.LBB2_30:
0x121: {  	v6 =	vld [tilespmem:s30+$0x30];
	s29 =	sadd.s32 $0x80, s29;
	[tilespmem:s28+$0xFFFFFFE0] =	vst v5  }
0x122: {  	v5 =	vld [tilespmem:s30+$0xFFFFFFD0];
	p0 =	slt.u32 s29, $0x1F80;
	[tilespmem:s28+$0xFFFFFFF0] =	vst v3  }
0x123: {  	v3 =	vld [tilespmem:s30+$0xFFFFFFE0];
	[tilespmem:s28+$0x0] =	vst v0  }
0x124: {  	v0 =	vld [tilespmem:s30+$0xFFFFFFF0];
	[tilespmem:s28+$0x10] =	vst v1  }
0x125: {  	v1 =	vld [tilespmem:s30+$0x0];
	[tilespmem:s28+$0x20] =	vst v2  }
0x126: {  	v2 =	vld [tilespmem:s30+$0x10];
	[tilespmem:s28+$0xFFFFFFC0] =	vst v4  }
0x127: {  	v4 =	vld [tilespmem:s30+$0x20]  }
0x128: {  	v7 =	vld [tilespmem:s30+$0xFFFFFFC0]  }
0x129: {  	v6 =	vld.idx.msk [tilespmem:v6+s3+$0x0], $0xffff  }
0x12a: {  	v8 =	vld.idx.msk [tilespmem:v5+s3+$0x0], $0xffff  }
0x12b: {  	v5 =	vld.idx.msk [tilespmem:v3+s3+$0x0], $0xffff  }
.Ltmp14:
0x12c: {  	v3 =	vld.idx.msk [tilespmem:v0+s3+$0x0], $0xffff;
	(pc) =	sbr.rel @p0 .LBB2_30-.Ltmp14, $4  }
0x12d: {  	v0 =	vld.idx.msk [tilespmem:v1+s3+$0x0], $0xffff  }
0x12e: {  	s28 =	sadd.s32 $0x100, s28;
	v1 =	vld.idx.msk [tilespmem:v2+s3+$0x0], $0xffff  }
0x12f: {  	v2 =	vld.idx.msk [tilespmem:v4+s3+$0x0], $0xffff;
	[tilespmem:s28+$0x30] =	vst v6  }
0x130: {  	s30 =	sadd.s32 $0x100, s30;
	v4 =	vld.idx.msk [tilespmem:v7+s3+$0x0], $0xffff;
	[tilespmem:s28+$0xFFFFFFD0] =	vst v8  }
0x131: {  	[tilespmem:s28+$0xFFFFFFE0] =	vst v5  }
0x132: {  	[tilespmem:s28+$0xFFFFFFF0] =	vst v3  }
0x133: {  	[tilespmem:s28+$0x0] =	vst v0  }
0x134: {  	[tilespmem:s28+$0x10] =	vst v1  }
0x135: {  	s29 =	simm.s32 $0x10000;
	[tilespmem:s28+$0x20] =	vst v2  }
0x136: {  	s31 =	sadd.s32 $0x0, s14;
	s30 =	simm.s32 $0x10100;
	[tilespmem:s28+$0xFFFFFFC0] =	vst v4;
	s28 =	simm.s32 $0x20  }
.LBB2_32:
0x137: {  	[tilespmem:s29], [sflag:$0x2] =	stream.linear.gather [hbm4b:s31+s3], $0x80, $0x38;
	[tilespmem:$0x18000] =	vst v63  }
0x138: {  	s31 =	smov.u32 s28;
	s29 =	smov.u32 s30;
	p0 =	sne.s32 s28, $0x7E0  }
.Ltmp15:
0x139: {  	s28 =	sadd.s32 $0x20, s28;
	(pc) =	sbr.rel @p0 .LBB2_32-.Ltmp15, $2  }
0x13a: {  	_ =	sdelay $0x2  }
0x13b: {  	s30 =	sadd.s32 $0x100, s30;
	s31 =	sadd.s32 s31, s14  }
0x13c: {  	[tilespmem:s29], [sflag:$0x2] =	stream.linear.gather [hbm4b:s31+s3], $0x80, $0x38;
	[tilespmem:$0x18000] =	vst v63  }
0x13d: {  	s28 =	simm.s32 $0x14000  }
0x13e: {  	s29 =	simm.s32 $0x10;
	s31 =	sadd.s32 $0x0, s15;
	s30 =	simm.s32 $0x14100  }
.LBB2_34:
0x13f: {  	[hbm4b:s31+s3] =	stream.linear.scatter [tilespmem:s28], [sflag:$0x4], $0x80, $0x38;
	[tilespmem:$0x18000] =	vst v63  }
0x140: {  	s31 =	smov.u32 s29;
	s28 =	smov.u32 s30;
	p0 =	sne.s32 s29, $0x3F0  }
.Ltmp16:
0x141: {  	s29 =	sadd.s32 $0x10, s29;
	(pc) =	sbr.rel @p0 .LBB2_34-.Ltmp16, $2  }
0x142: {  	_ =	sdelay $0x2  }
0x143: {  	s30 =	sadd.s32 $0x100, s30;
	s31 =	sadd.s32 s31, s15  }
0x144: {  	[hbm4b:s31+s3] =	stream.linear.scatter [tilespmem:s28], [sflag:$0x4], $0x80, $0x38;
	[tilespmem:$0x18000] =	vst v63  }
0x145: {  	_ =	swait.ge [sflag:s23], $0x2000  }
0x146: {  	[sflag:s23] =	ssyncset.done $0x0  }
0x147: {  	[sflag:s23] =	ssyncadd.s32 $0xFFFFE000  }
0x148: {  	_ =	swait.ge [sflag:s25], $0x2000  }
0x149: {  	[sflag:s25] =	ssyncset.done $0x0  }
0x14a: {  	s28 =	simm.s32 $0x100F0;
	[sflag:s25] =	ssyncadd.s32 $0xFFFFE000  }
0x14b: {  	v0 =	vld [tilespmem:s28+$0x0]  }
0x14c: {  	v1 =	vld [tilespmem:s28+$0xFFFFFFA0]  }
0x14d: {  	v2 =	vld [tilespmem:s28+$0xFFFFFFB0]  }
0x14e: {  	v3 =	vld [tilespmem:s28+$0xFFFFFFC0]  }
0x14f: {  	v4 =	vld [tilespmem:s28+$0xFFFFFFD0]  }
0x150: {  	v6 =	vld [tilespmem:s28+$0xFFFFFFE0]  }
0x151: {  	v7 =	vld [tilespmem:s28+$0xFFFFFFF0]  }
0x152: {  	v8 =	vld [tilespmem:s28+$0xFFFFFF90]  }
0x153: {  	v9 =	vld.idx.msk [tilespmem:v0+s3+$0x0], $0xffff  }
0x154: {  	v10 =	vld.idx.msk [tilespmem:v1+s3+$0x0], $0xffff  }
0x155: {  	v5 =	vld.idx.msk [tilespmem:v2+s3+$0x0], $0xffff  }
0x156: {  	v3 =	vld.idx.msk [tilespmem:v3+s3+$0x0], $0xffff  }
0x157: {  	v0 =	vld.idx.msk [tilespmem:v4+s3+$0x0], $0xffff  }
0x158: {  	s28 =	simm.s32 $0x140F0;
	v1 =	vld.idx.msk [tilespmem:v6+s3+$0x0], $0xffff  }
0x159: {  	v2 =	vld.idx.msk [tilespmem:v7+s3+$0x0], $0xffff;
	[tilespmem:s28+$0x0] =	vst v9  }
0x15a: {  	s29 =	simm.s32 $0x0;
	s30 =	simm.s32 $0x101F0;
	v4 =	vld.idx.msk [tilespmem:v8+s3+$0x0], $0xffff;
	[tilespmem:s28+$0xFFFFFFA0] =	vst v10  }
.LBB2_36:
0x15b: {  	v6 =	vld [tilespmem:s30+$0x0];
	s29 =	sadd.s32 $0x80, s29;
	[tilespmem:s28+$0xFFFFFFB0] =	vst v5  }
0x15c: {  	v5 =	vld [tilespmem:s30+$0xFFFFFFA0];
	p0 =	slt.u32 s29, $0x1F80;
	[tilespmem:s28+$0xFFFFFFC0] =	vst v3  }
0x15d: {  	v3 =	vld [tilespmem:s30+$0xFFFFFFB0];
	[tilespmem:s28+$0xFFFFFFD0] =	vst v0  }
0x15e: {  	v0 =	vld [tilespmem:s30+$0xFFFFFFC0];
	[tilespmem:s28+$0xFFFFFFE0] =	vst v1  }
0x15f: {  	v1 =	vld [tilespmem:s30+$0xFFFFFFD0];
	[tilespmem:s28+$0xFFFFFFF0] =	vst v2  }
0x160: {  	v2 =	vld [tilespmem:s30+$0xFFFFFFE0];
	[tilespmem:s28+$0xFFFFFF90] =	vst v4  }
0x161: {  	v4 =	vld [tilespmem:s30+$0xFFFFFFF0]  }
0x162: {  	v7 =	vld [tilespmem:s30+$0xFFFFFF90]  }
0x163: {  	v6 =	vld.idx.msk [tilespmem:v6+s3+$0x0], $0xffff  }
0x164: {  	v8 =	vld.idx.msk [tilespmem:v5+s3+$0x0], $0xffff  }
0x165: {  	v5 =	vld.idx.msk [tilespmem:v3+s3+$0x0], $0xffff  }
.Ltmp17:
0x166: {  	v3 =	vld.idx.msk [tilespmem:v0+s3+$0x0], $0xffff;
	(pc) =	sbr.rel @p0 .LBB2_36-.Ltmp17, $4  }
0x167: {  	v0 =	vld.idx.msk [tilespmem:v1+s3+$0x0], $0xffff  }
0x168: {  	s28 =	sadd.s32 $0x100, s28;
	v1 =	vld.idx.msk [tilespmem:v2+s3+$0x0], $0xffff  }
0x169: {  	v2 =	vld.idx.msk [tilespmem:v4+s3+$0x0], $0xffff;
	[tilespmem:s28+$0x0] =	vst v6  }
0x16a: {  	s30 =	sadd.s32 $0x100, s30;
	v4 =	vld.idx.msk [tilespmem:v7+s3+$0x0], $0xffff;
	[tilespmem:s28+$0xFFFFFFA0] =	vst v8  }
0x16b: {  	[tilespmem:s28+$0xFFFFFFB0] =	vst v5  }
0x16c: {  	[tilespmem:s28+$0xFFFFFFC0] =	vst v3  }
0x16d: {  	[tilespmem:s28+$0xFFFFFFD0] =	vst v0  }
0x16e: {  	[tilespmem:s28+$0xFFFFFFE0] =	vst v1  }
0x16f: {  	s29 =	simm.s32 $0x10080;
	[tilespmem:s28+$0xFFFFFFF0] =	vst v2  }
0x170: {  	s31 =	sadd.s32 $0x0, s16;
	s30 =	simm.s32 $0x10180;
	[tilespmem:s28+$0xFFFFFF90] =	vst v4;
	s28 =	simm.s32 $0x20  }
.LBB2_38:
0x171: {  	[tilespmem:s29], [sflag:$0x3] =	stream.linear.gather [hbm4b:s31+s3], $0x80, $0x38;
	[tilespmem:$0x18000] =	vst v63  }
0x172: {  	s31 =	smov.u32 s28;
	s29 =	smov.u32 s30;
	p0 =	sne.s32 s28, $0x7E0  }
.Ltmp18:
0x173: {  	s28 =	sadd.s32 $0x20, s28;
	(pc) =	sbr.rel @p0 .LBB2_38-.Ltmp18, $2  }
0x174: {  	_ =	sdelay $0x2  }
0x175: {  	s30 =	sadd.s32 $0x100, s30;
	s31 =	sadd.s32 s31, s16  }
0x176: {  	[tilespmem:s29], [sflag:$0x3] =	stream.linear.gather [hbm4b:s31+s3], $0x80, $0x38;
	[tilespmem:$0x18000] =	vst v63  }
0x177: {  	s28 =	simm.s32 $0x14080  }
0x178: {  	s29 =	simm.s32 $0x10;
	s31 =	sadd.s32 $0x0, s17;
	s30 =	simm.s32 $0x14180  }
.LBB2_40:
0x179: {  	[hbm4b:s31+s3] =	stream.linear.scatter [tilespmem:s28], [sflag:$0x5], $0x80, $0x38;
	[tilespmem:$0x18000] =	vst v63  }
0x17a: {  	s31 =	smov.u32 s29;
	s28 =	smov.u32 s30;
	p0 =	sne.s32 s29, $0x3F0  }
.Ltmp19:
0x17b: {  	s29 =	sadd.s32 $0x10, s29;
	(pc) =	sbr.rel @p0 .LBB2_40-.Ltmp19, $2  }
0x17c: {  	_ =	sdelay $0x2  }
0x17d: {  	s30 =	sadd.s32 $0x100, s30;
	s31 =	sadd.s32 s31, s17  }
0x17e: {  	[hbm4b:s31+s3] =	stream.linear.scatter [tilespmem:s28], [sflag:$0x5], $0x80, $0x38;
	[tilespmem:$0x18000] =	vst v63  }
0x17f: {  	_ =	swait.ge [sflag:s22], $0x2000  }
0x180: {  	[sflag:s22] =	ssyncset.done $0x0  }
0x181: {  	[sflag:s22] =	ssyncadd.s32 $0xFFFFE000  }
0x182: {  	_ =	swait.ge [sflag:s24], $0x2000  }
0x183: {  	[sflag:s24] =	ssyncset.done $0x0  }
0x184: {  	s28 =	simm.s32 $0x10040;
	[sflag:s24] =	ssyncadd.s32 $0xFFFFE000  }
0x185: {  	v0 =	vld [tilespmem:s28+$0x30]  }
0x186: {  	v1 =	vld [tilespmem:s28+$0xFFFFFFD0]  }
0x187: {  	v2 =	vld [tilespmem:s28+$0xFFFFFFE0]  }
0x188: {  	v3 =	vld [tilespmem:s28+$0xFFFFFFF0]  }
0x189: {  	v4 =	vld [tilespmem:s28+$0x0]  }
0x18a: {  	v6 =	vld [tilespmem:s28+$0x10]  }
0x18b: {  	v7 =	vld [tilespmem:s28+$0x20]  }
0x18c: {  	v8 =	vld [tilespmem:s28+$0xFFFFFFC0]  }
0x18d: {  	v9 =	vld.idx.msk [tilespmem:v0+s3+$0x0], $0xffff  }
0x18e: {  	v10 =	vld.idx.msk [tilespmem:v1+s3+$0x0], $0xffff  }
0x18f: {  	v5 =	vld.idx.msk [tilespmem:v2+s3+$0x0], $0xffff  }
0x190: {  	v3 =	vld.idx.msk [tilespmem:v3+s3+$0x0], $0xffff  }
0x191: {  	v0 =	vld.idx.msk [tilespmem:v4+s3+$0x0], $0xffff  }
0x192: {  	s28 =	simm.s32 $0x14040;
	v1 =	vld.idx.msk [tilespmem:v6+s3+$0x0], $0xffff  }
0x193: {  	v2 =	vld.idx.msk [tilespmem:v7+s3+$0x0], $0xffff;
	[tilespmem:s28+$0x30] =	vst v9  }
0x194: {  	s29 =	simm.s32 $0x0;
	s30 =	simm.s32 $0x10140;
	v4 =	vld.idx.msk [tilespmem:v8+s3+$0x0], $0xffff;
	[tilespmem:s28+$0xFFFFFFD0] =	vst v10  }
.LBB2_42:
0x195: {  	v6 =	vld [tilespmem:s30+$0x30];
	s29 =	sadd.s32 $0x80, s29;
	[tilespmem:s28+$0xFFFFFFE0] =	vst v5  }
0x196: {  	v5 =	vld [tilespmem:s30+$0xFFFFFFD0];
	p0 =	slt.u32 s29, $0x1F80;
	[tilespmem:s28+$0xFFFFFFF0] =	vst v3  }
0x197: {  	v3 =	vld [tilespmem:s30+$0xFFFFFFE0];
	[tilespmem:s28+$0x0] =	vst v0  }
0x198: {  	v0 =	vld [tilespmem:s30+$0xFFFFFFF0];
	[tilespmem:s28+$0x10] =	vst v1  }
0x199: {  	v1 =	vld [tilespmem:s30+$0x0];
	[tilespmem:s28+$0x20] =	vst v2  }
0x19a: {  	v2 =	vld [tilespmem:s30+$0x10];
	[tilespmem:s28+$0xFFFFFFC0] =	vst v4  }
0x19b: {  	v4 =	vld [tilespmem:s30+$0x20]  }
0x19c: {  	v7 =	vld [tilespmem:s30+$0xFFFFFFC0]  }
0x19d: {  	v6 =	vld.idx.msk [tilespmem:v6+s3+$0x0], $0xffff  }
0x19e: {  	v8 =	vld.idx.msk [tilespmem:v5+s3+$0x0], $0xffff  }
0x19f: {  	v5 =	vld.idx.msk [tilespmem:v3+s3+$0x0], $0xffff  }
.Ltmp20:
0x1a0: {  	v3 =	vld.idx.msk [tilespmem:v0+s3+$0x0], $0xffff;
	(pc) =	sbr.rel @p0 .LBB2_42-.Ltmp20, $4  }
0x1a1: {  	v0 =	vld.idx.msk [tilespmem:v1+s3+$0x0], $0xffff  }
0x1a2: {  	s28 =	sadd.s32 $0x100, s28;
	v1 =	vld.idx.msk [tilespmem:v2+s3+$0x0], $0xffff  }
0x1a3: {  	v2 =	vld.idx.msk [tilespmem:v4+s3+$0x0], $0xffff;
	[tilespmem:s28+$0x30] =	vst v6  }
0x1a4: {  	s30 =	sadd.s32 $0x100, s30;
	v4 =	vld.idx.msk [tilespmem:v7+s3+$0x0], $0xffff;
	[tilespmem:s28+$0xFFFFFFD0] =	vst v8  }
0x1a5: {  	[tilespmem:s28+$0xFFFFFFE0] =	vst v5  }
0x1a6: {  	[tilespmem:s28+$0xFFFFFFF0] =	vst v3  }
0x1a7: {  	[tilespmem:s28+$0x0] =	vst v0  }
0x1a8: {  	[tilespmem:s28+$0x10] =	vst v1  }
0x1a9: {  	s29 =	simm.s32 $0x14000;
	[tilespmem:s28+$0x20] =	vst v2  }
0x1aa: {  	s31 =	sadd.s32 $0x0, s18;
	s30 =	simm.s32 $0x14100;
	[tilespmem:s28+$0xFFFFFFC0] =	vst v4;
	s28 =	simm.s32 $0x10  }
.LBB2_44:
0x1ab: {  	[hbm4b:s31+s3] =	stream.linear.scatter [tilespmem:s29], [sflag:$0x4], $0x80, $0x38;
	[tilespmem:$0x18000] =	vst v63  }
0x1ac: {  	s31 =	smov.u32 s28;
	s29 =	smov.u32 s30;
	p0 =	sne.s32 s28, $0x3F0  }
.Ltmp21:
0x1ad: {  	s28 =	sadd.s32 $0x10, s28;
	(pc) =	sbr.rel @p0 .LBB2_44-.Ltmp21, $2  }
0x1ae: {  	_ =	sdelay $0x2  }
0x1af: {  	s30 =	sadd.s32 $0x100, s30;
	s31 =	sadd.s32 s31, s18  }
0x1b0: {  	[hbm4b:s31+s3] =	stream.linear.scatter [tilespmem:s29], [sflag:$0x4], $0x80, $0x38;
	[tilespmem:$0x18000] =	vst v63  }
0x1b1: {  	_ =	swait.ge [sflag:s23], $0x2000  }
0x1b2: {  	[sflag:s23] =	ssyncset.done $0x0  }
0x1b3: {  	[sflag:s23] =	ssyncadd.s32 $0xFFFFE000  }
0x1b4: {  	_ =	swait.ge [sflag:s25], $0x2000  }
0x1b5: {  	[sflag:s25] =	ssyncset.done $0x0  }
0x1b6: {  	s28 =	simm.s32 $0x100F0;
	[sflag:s25] =	ssyncadd.s32 $0xFFFFE000  }
0x1b7: {  	v0 =	vld [tilespmem:s28+$0x0]  }
0x1b8: {  	v1 =	vld [tilespmem:s28+$0xFFFFFFA0]  }
0x1b9: {  	v2 =	vld [tilespmem:s28+$0xFFFFFFB0]  }
0x1ba: {  	v3 =	vld [tilespmem:s28+$0xFFFFFFC0]  }
0x1bb: {  	v4 =	vld [tilespmem:s28+$0xFFFFFFD0]  }
0x1bc: {  	v6 =	vld [tilespmem:s28+$0xFFFFFFE0]  }
0x1bd: {  	v7 =	vld [tilespmem:s28+$0xFFFFFFF0]  }
0x1be: {  	v8 =	vld [tilespmem:s28+$0xFFFFFF90]  }
0x1bf: {  	v9 =	vld.idx.msk [tilespmem:v0+s3+$0x0], $0xffff  }
0x1c0: {  	v10 =	vld.idx.msk [tilespmem:v1+s3+$0x0], $0xffff  }
0x1c1: {  	v5 =	vld.idx.msk [tilespmem:v2+s3+$0x0], $0xffff  }
0x1c2: {  	v3 =	vld.idx.msk [tilespmem:v3+s3+$0x0], $0xffff  }
0x1c3: {  	v0 =	vld.idx.msk [tilespmem:v4+s3+$0x0], $0xffff  }
0x1c4: {  	s28 =	simm.s32 $0x140F0;
	v1 =	vld.idx.msk [tilespmem:v6+s3+$0x0], $0xffff  }
0x1c5: {  	v2 =	vld.idx.msk [tilespmem:v7+s3+$0x0], $0xffff;
	[tilespmem:s28+$0x0] =	vst v9  }
0x1c6: {  	s29 =	simm.s32 $0x0;
	s30 =	simm.s32 $0x101F0;
	v4 =	vld.idx.msk [tilespmem:v8+s3+$0x0], $0xffff;
	[tilespmem:s28+$0xFFFFFFA0] =	vst v10  }
.LBB2_46:
0x1c7: {  	v6 =	vld [tilespmem:s30+$0x0];
	s29 =	sadd.s32 $0x80, s29;
	[tilespmem:s28+$0xFFFFFFB0] =	vst v5  }
0x1c8: {  	v5 =	vld [tilespmem:s30+$0xFFFFFFA0];
	p0 =	slt.u32 s29, $0x1F80;
	[tilespmem:s28+$0xFFFFFFC0] =	vst v3  }
0x1c9: {  	v3 =	vld [tilespmem:s30+$0xFFFFFFB0];
	[tilespmem:s28+$0xFFFFFFD0] =	vst v0  }
0x1ca: {  	v0 =	vld [tilespmem:s30+$0xFFFFFFC0];
	[tilespmem:s28+$0xFFFFFFE0] =	vst v1  }
0x1cb: {  	v1 =	vld [tilespmem:s30+$0xFFFFFFD0];
	[tilespmem:s28+$0xFFFFFFF0] =	vst v2  }
0x1cc: {  	v2 =	vld [tilespmem:s30+$0xFFFFFFE0];
	[tilespmem:s28+$0xFFFFFF90] =	vst v4  }
0x1cd: {  	v4 =	vld [tilespmem:s30+$0xFFFFFFF0]  }
0x1ce: {  	v7 =	vld [tilespmem:s30+$0xFFFFFF90]  }
0x1cf: {  	v6 =	vld.idx.msk [tilespmem:v6+s3+$0x0], $0xffff  }
0x1d0: {  	v8 =	vld.idx.msk [tilespmem:v5+s3+$0x0], $0xffff  }
0x1d1: {  	v5 =	vld.idx.msk [tilespmem:v3+s3+$0x0], $0xffff  }
.Ltmp22:
0x1d2: {  	v3 =	vld.idx.msk [tilespmem:v0+s3+$0x0], $0xffff;
	(pc) =	sbr.rel @p0 .LBB2_46-.Ltmp22, $4  }
0x1d3: {  	v0 =	vld.idx.msk [tilespmem:v1+s3+$0x0], $0xffff  }
0x1d4: {  	s28 =	sadd.s32 $0x100, s28;
	v1 =	vld.idx.msk [tilespmem:v2+s3+$0x0], $0xffff  }
0x1d5: {  	v2 =	vld.idx.msk [tilespmem:v4+s3+$0x0], $0xffff;
	[tilespmem:s28+$0x0] =	vst v6  }
0x1d6: {  	s30 =	sadd.s32 $0x100, s30;
	v4 =	vld.idx.msk [tilespmem:v7+s3+$0x0], $0xffff;
	[tilespmem:s28+$0xFFFFFFA0] =	vst v8  }
0x1d7: {  	[tilespmem:s28+$0xFFFFFFB0] =	vst v5  }
0x1d8: {  	[tilespmem:s28+$0xFFFFFFC0] =	vst v3  }
0x1d9: {  	[tilespmem:s28+$0xFFFFFFD0] =	vst v0  }
0x1da: {  	[tilespmem:s28+$0xFFFFFFE0] =	vst v1  }
0x1db: {  	s29 =	simm.s32 $0x14080;
	[tilespmem:s28+$0xFFFFFFF0] =	vst v2  }
0x1dc: {  	s31 =	sadd.s32 $0x0, s19;
	s30 =	simm.s32 $0x14180;
	[tilespmem:s28+$0xFFFFFF90] =	vst v4;
	s28 =	simm.s32 $0x10  }
.LBB2_48:
0x1dd: {  	[hbm4b:s31+s3] =	stream.linear.scatter [tilespmem:s29], [sflag:$0x5], $0x80, $0x38;
	[tilespmem:$0x18000] =	vst v63  }
0x1de: {  	s31 =	smov.u32 s28;
	s29 =	smov.u32 s30;
	p0 =	sne.s32 s28, $0x3F0  }
.Ltmp23:
0x1df: {  	s28 =	sadd.s32 $0x10, s28;
	(pc) =	sbr.rel @p0 .LBB2_48-.Ltmp23, $2  }
0x1e0: {  	_ =	sdelay $0x2  }
0x1e1: {  	s30 =	sadd.s32 $0x100, s30;
	s31 =	sadd.s32 s31, s19  }
0x1e2: {  	[hbm4b:s31+s3] =	stream.linear.scatter [tilespmem:s29], [sflag:$0x5], $0x80, $0x38;
	[tilespmem:$0x18000] =	vst v63  }
0x1e3: {  	s26 =	sadd.s32 $0x1, s26  }
0x1e4: {  	_ =	swait.ge [sflag:s24], $0x2000;
	p0 =	sne.s32 s26, s20  }
.Ltmp24:
0x1e5: {  	[sflag:s24] =	ssyncset.done $0x0;
	(pc) =	sbr.rel @p0 .LBB2_1-.Ltmp24, $4  }
0x1e6: {  	[sflag:s24] =	ssyncadd.s32 $0xFFFFE000  }
0x1e7: {  	_ =	swait.ge [sflag:s25], $0x2000  }
0x1e8: {  	[sflag:s25] =	ssyncset.done $0x0  }
0x1e9: {  	[sflag:s25] =	ssyncadd.s32 $0xFFFFE000  }
0x1ea: {  	_ =	sfence.sel $0x180000  }
0x1eb: {  	[bflag:$0x0] =	sbarrier.arrive $0xFFFF  }
0x1ec: {  	p0 =	sne.s32 s2, $0x0;
	_ =	strace $0x90000047  }
0x1ed: {  	s0 =	sadd.s32 @!p0 $0x100000, s0;
	[bflag:$0x2] =	sbarrier.arrive $0xFFFF  }
0x1ee: {  	[sflag:s0] =	ssyncadd.tile.s32 @!p0 $0x1;
	_ =	shalt  }
.Lfunc_end2:
_tile_overlayer_lowered:
.L_overlay_start_2:
0x1ef: {  	(tag) =	ssettag $0x2  }
0x1f0: {  	s0 =	rddreg [dreg:$0x0];
	s2 =	stileid.u32  }
0x1f1: {  	s1 =	rddreg [dreg:$0x1];
	p0 =	sne.s32 s2, $0x0  }
0x1f2: {  	s3 =	rddreg [dreg:$0x2];
	[bflag:$0x3] =	sbarrier.arrive $0xFFFF;
	s2 =	simm.s32 @!p0 $0x1C06  }
0x1f3: {  	[timem:s3], [sflag:s2] =	dma.local @!p0 [hbm:s0], s1  }
0x1f4: {  	s0 =	simm.s32 @!p0 $0x6  }
0x1f5: {  	_ =	swait.ge @!p0 [sflag:s0], s1  }
0x1f6: {  	s1 =	ssub.s32 @!p0 $0x0, s1;
	[sflag:s0] =	ssyncset.done @!p0 $0x0  }
0x1f7: {  	[sflag:s0] =	ssyncadd.s32 @!p0 s1  }
0x1f8: {  	[bflag:$0x3] =	sbarrier.arrive $0xFFFF  }
0x1f9: {  	_ =	shalt  }

</sc_bundles>
